<compile_context>
chip_gen: v7x
topology: tpu7x:2x2x1
jax: 0.10.2.dev20260603
libtpu: 0.0.44.dev20260713+nightly
codegen_flags: <defaults>
</compile_context>

<pallas_src>
import functools
import jax
import jax.numpy as jnp
from jax import lax
from jax.experimental import pallas as pl
from jax.experimental.pallas import tpu as pltpu
from jax.experimental.pallas import tpu_sc as plsc

_ROT_A = (13, 15, 26, 6)
_ROT_B = (17, 29, 16, 24)
_M32 = 0xFFFFFFFF


def _threefry2x32_scalar(k0, k1, x0, x1):
    ks = (k0, k1, (0x1BD11BDA ^ k0 ^ k1) & _M32)
    x0 = (x0 + k0) & _M32
    x1 = (x1 + k1) & _M32
    for i, rots in enumerate((_ROT_A, _ROT_B, _ROT_A, _ROT_B, _ROT_A)):
        for r in rots:
            x0 = (x0 + x1) & _M32
            x1 = ((x1 << r) | (x1 >> (32 - r))) & _M32
            x1 ^= x0
        x0 = (x0 + ks[(i + 1) % 3]) & _M32
        x1 = (x1 + ks[(i + 2) % 3] + i + 1) & _M32
    return x0, x1


_K0, _K1 = _threefry2x32_scalar(0, 0, 0, 1234)
_KS2 = (0x1BD11BDA ^ _K0 ^ _K1) & _M32
_THRESH = 1677721

_INJ = tuple(
    ((_K0, _K1, _KS2)[(i + 1) % 3], ((_K0, _K1, _KS2)[(i + 2) % 3] + i + 1) & _M32)
    for i in range(5)
)
_SCHED = tuple(zip((_ROT_A, _ROT_B, _ROT_A, _ROT_B, _ROT_A), _INJ))

_ROWS, _COLS = 128, 8192

_TC_ROWS = 104
_SC_ROWS = _ROWS - _TC_ROWS
_TC_BLK = 8

_NW = 32
_SC_N = _SC_ROWS * _COLS
_SC_CHUNK = _SC_N // _NW
_SC_OFF = _TC_ROWS * _COLS
_VPL = 16


def _threefry_drop(x, x1):
    x0 = x1 + jnp.uint32(_K0)
    first = True
    for rots, (a0, a1) in _SCHED:
        for r in rots:
            if first:
                first = False
            else:
                x0 = x0 + x1
            x1 = (x1 << jnp.uint32(r)) | (x1 >> jnp.uint32(32 - r))
            x1 = x1 ^ x0
        x0 = x0 + jnp.uint32(a0)
        x1 = x1 + jnp.uint32(a1)
    bits = x0 ^ x1
    drop = ((bits >> jnp.uint32(9)) <= jnp.uint32(_THRESH)) & (x != 0) & (x != 2)
    return jnp.where(drop, jnp.zeros_like(x), x)


def _tc_body(x_ref, o_ref):
    r0 = pl.program_id(0) * _TC_BLK
    row = lax.broadcasted_iota(jnp.uint32, (_TC_BLK, _COLS), 0)
    col = lax.broadcasted_iota(jnp.uint32, (_TC_BLK, _COLS), 1)
    base = jnp.uint32(r0) * jnp.uint32(_COLS) + jnp.uint32(_K1)
    x1 = (row << jnp.uint32(13)) + col + base
    o_ref[...] = _threefry_drop(x_ref[...], x1)


_SC_MESH = plsc.VectorSubcoreMesh(core_axis_name="c", subcore_axis_name="s")


@functools.partial(
    pl.kernel,
    mesh=_SC_MESH,
    out_type=jax.ShapeDtypeStruct((_SC_N,), jnp.int32),
    scratch_types=[
        pltpu.VMEM((_SC_CHUNK,), jnp.int32),
        pltpu.VMEM((_SC_CHUNK,), jnp.int32),
    ],
)
def _sc_drop(x_hbm, out_hbm, x_v, o_v):
    lane = lax.broadcasted_iota(jnp.uint32, (_VPL,), 0)
    wid = lax.axis_index("s") * 2 + lax.axis_index("c")
    base = wid * _SC_CHUNK
    pltpu.sync_copy(x_hbm.at[pl.ds(base, _SC_CHUNK)], x_v)

    @plsc.parallel_loop(0, _SC_CHUNK, _VPL, unroll=8)
    def _body(o):
        xv = x_v[pl.ds(o, _VPL)]
        x1 = (base + o + jnp.int32(_SC_OFF)).astype(jnp.uint32) + jnp.uint32(_K1) + lane
        o_v[pl.ds(o, _VPL)] = _threefry_drop(xv, x1)

    pltpu.sync_copy(o_v, out_hbm.at[pl.ds(base, _SC_CHUNK)])


def kernel(input_ids):
    sc_out = _sc_drop(input_ids[_TC_ROWS:].reshape(_SC_N))
    tc_out = pl.pallas_call(
        _tc_body,
        grid=(_TC_ROWS // _TC_BLK,),
        in_specs=[pl.BlockSpec((_TC_BLK, _COLS), lambda i: (i, 0))],
        out_specs=pl.BlockSpec((_TC_BLK, _COLS), lambda i: (i, 0)),
        out_shape=jax.ShapeDtypeStruct((_TC_ROWS, _COLS), input_ids.dtype),
    )(input_ids[:_TC_ROWS])
    return jnp.concatenate([tc_out, sc_out.reshape(_SC_ROWS, _COLS)], axis=0)

# --- scband reference (transcript-rebuilt; emitter-appended) ---
"""Pipeline reference for scband-token-drop-59803124630231 (READ-ONLY COPY).

The authoritative reference and input builder live on the scoring server;
editing this copy changes nothing except your own understanding.
"""

import jax, jax.numpy as jnp
import numpy as np

PROB = 0.2
PAD_TOKEN_ID = 0
EOS_TOKEN_ID = 2

def setup_inputs(seed: int = 0) -> dict:
    key = jax.random.key(seed)
    input_ids = jax.random.randint(key, (128, 8192), 0, 32000, dtype=jnp.int64 if jax.config.jax_enable_x64 else jnp.int32)
    return {"input_ids": input_ids}

def reference(input_ids):
    # Faithful translation of TokenDrop.forward in training mode.
    # torch.bernoulli(full(shape, prob)) -> jax.random.bernoulli with fixed key
    drop_key = jax.random.fold_in(jax.random.key(0), 1234)
    mask = jax.random.bernoulli(drop_key, PROB, input_ids.shape)
    mask = mask & (input_ids != EOS_TOKEN_ID) & (input_ids != PAD_TOKEN_ID)
    out = jnp.where(mask, jnp.asarray(PAD_TOKEN_ID, dtype=input_ids.dtype), input_ids)
    return out

if __name__ == "__main__":
    import jax
    _d = setup_inputs()
    print(jax.jit(kernel)(*tuple(_d.values())))

</pallas_src>

<mosaic_0001>
#map = affine_map<(d0, d1) -> (0)>
module attributes {stable_mosaic.version = 14 : i64} {
  func.func @_sc_drop(%arg0: i32, %arg1: i32, %arg2: memref<196608xi32, #tpu.memory_space<hbm>>, %arg3: memref<196608xi32, #tpu.memory_space<hbm>>, %arg4: memref<6144xi32, #tpu.memory_space<vmem>>, %arg5: memref<6144xi32, #tpu.memory_space<vmem>>) attributes {dimension_semantics = [#tpu.dimension_semantics<core_parallel>, #tpu.dimension_semantics<subcore_parallel>], iteration_bounds = array<i64: 2, 16>, scalar_prefetch = 0 : i64, scratch_operands = 2 : i64, tpu.core_type = #tpu.core_type<sc_vector_subcore>, window_params = [{transform_indices = #map}, {transform_indices = #map}]} {
    %iota3A = tpu.iota {dimensions = array<i32: 0>} : vector<16xi32>
    %mul3A = arith.constant 2 : i32
    %mul3A_0 = arith.muli %arg1, %mul3A : i32
    %add3A = arith.addi %mul3A_0, %arg0 : i32
    %mul3A_1 = arith.constant 6144 : i32
    %mul3A_2 = arith.muli %add3A, %mul3A_1 : i32
    "tpu.region"() ({
      %run_scoped3A = tpu.sem_alloc : memref<!tpu.dma_semaphore, #tpu.memory_space<semaphore_mem>>
      %dma_start3A = tpu.memref_slice %arg2[%mul3A_2] : memref<196608xi32, #tpu.memory_space<hbm>> -> memref<6144xi32, #tpu.memory_space<hbm>>
      %dma_start3A_5 = tpu.memref_slice %arg2[%mul3A_2] : memref<196608xi32, #tpu.memory_space<hbm>> -> memref<6144xi32, #tpu.memory_space<hbm>>
      tpu.enqueue_dma source(%dma_start3A_5 : memref<6144xi32, #tpu.memory_space<hbm>>) target(%arg4 : memref<6144xi32, #tpu.memory_space<vmem>>) target_semaphore(%run_scoped3A : memref<!tpu.dma_semaphore, #tpu.memory_space<semaphore_mem>>)
      %dma_wait3A = tpu.memref_slice %arg2[%mul3A_2] : memref<196608xi32, #tpu.memory_space<hbm>> -> memref<6144xi32, #tpu.memory_space<hbm>>
      %dma_wait3A_6 = tpu.memref_slice %arg2[%mul3A_2] : memref<196608xi32, #tpu.memory_space<hbm>> -> memref<6144xi32, #tpu.memory_space<hbm>>
      tpu.wait_dma2 semaphore(%run_scoped3A : memref<!tpu.dma_semaphore, #tpu.memory_space<semaphore_mem>>) src(%dma_wait3A_6 : memref<6144xi32, #tpu.memory_space<hbm>>) dst(%arg4 : memref<6144xi32, #tpu.memory_space<vmem>>)
      tpu.yield
    }) : () -> ()
    %parallel_loop3A = arith.constant 0 : i32
    %parallel_loop3A_3 = arith.constant 6144 : i32
    %parallel_loop3A_4 = arith.constant 16 : i32
    scf.for %parallel_loop3A_5 = %parallel_loop3A to %parallel_loop3A_3 step %parallel_loop3A_4  : i32 {
      %parallel_loop3A_6 = arith.index_cast %parallel_loop3A_5 : i32 to index
      %parallel_loop3A_7 = tpu.vector_load %arg4[%parallel_loop3A_6] {strides = array<i32>} : memref<6144xi32, #tpu.memory_space<vmem>>, vector<16xi32>,
      %parallel_loop3A_8 = vector.shape_cast %parallel_loop3A_7 : vector<16xi32> to vector<16xi32>
      %parallel_loop3A_9 = arith.addi %mul3A_2, %parallel_loop3A_5 : i32
      %parallel_loop3A_10 = arith.constant 851968 : i32
      %parallel_loop3A_11 = arith.addi %parallel_loop3A_9, %parallel_loop3A_10 : i32
      %parallel_loop3A_12 = arith.constant 1995989849 : i32
      %parallel_loop3A_13 = arith.addi %parallel_loop3A_11, %parallel_loop3A_12 : i32
      %parallel_loop3A_14 = vector.broadcast %parallel_loop3A_13 : i32 to vector<16xi32>
      %parallel_loop3A_15 = arith.addi %parallel_loop3A_14, %iota3A : vector<16xi32>
      %parallel_loop3A_16 = arith.constant 684292728 : i32
      %parallel_loop3A_17 = vector.broadcast %parallel_loop3A_16 : i32 to vector<16xi32>
      %parallel_loop3A_18 = arith.addi %parallel_loop3A_15, %parallel_loop3A_17 : vector<16xi32>
      %parallel_loop3A_19 = arith.constant 13 : i32
      %parallel_loop3A_20 = vector.broadcast %parallel_loop3A_19 : i32 to vector<16xi32>
      %parallel_loop3A_21 = arith.shli %parallel_loop3A_15, %parallel_loop3A_20 : vector<16xi32>
      %parallel_loop3A_22 = arith.constant 19 : i32
      %parallel_loop3A_23 = vector.broadcast %parallel_loop3A_22 : i32 to vector<16xi32>
      %parallel_loop3A_24 = arith.shrui %parallel_loop3A_15, %parallel_loop3A_23 : vector<16xi32>
      %parallel_loop3A_25 = arith.ori %parallel_loop3A_21, %parallel_loop3A_24 : vector<16xi32>
      %parallel_loop3A_26 = arith.xori %parallel_loop3A_25, %parallel_loop3A_18 : vector<16xi32>
      %parallel_loop3A_27 = arith.addi %parallel_loop3A_18, %parallel_loop3A_26 : vector<16xi32>
      %parallel_loop3A_28 = arith.constant 15 : i32
      %parallel_loop3A_29 = vector.broadcast %parallel_loop3A_28 : i32 to vector<16xi32>
      %parallel_loop3A_30 = arith.shli %parallel_loop3A_26, %parallel_loop3A_29 : vector<16xi32>
      %parallel_loop3A_31 = arith.constant 17 : i32
      %parallel_loop3A_32 = vector.broadcast %parallel_loop3A_31 : i32 to vector<16xi32>
      %parallel_loop3A_33 = arith.shrui %parallel_loop3A_26, %parallel_loop3A_32 : vector<16xi32>
      %parallel_loop3A_34 = arith.ori %parallel_loop3A_30, %parallel_loop3A_33 : vector<16xi32>
      %parallel_loop3A_35 = arith.xori %parallel_loop3A_34, %parallel_loop3A_27 : vector<16xi32>
      %parallel_loop3A_36 = arith.addi %parallel_loop3A_27, %parallel_loop3A_35 : vector<16xi32>
      %parallel_loop3A_37 = arith.constant 26 : i32
      %parallel_loop3A_38 = vector.broadcast %parallel_loop3A_37 : i32 to vector<16xi32>
      %parallel_loop3A_39 = arith.shli %parallel_loop3A_35, %parallel_loop3A_38 : vector<16xi32>
      %parallel_loop3A_40 = arith.constant 6 : i32
      %parallel_loop3A_41 = vector.broadcast %parallel_loop3A_40 : i32 to vector<16xi32>
      %parallel_loop3A_42 = arith.shrui %parallel_loop3A_35, %parallel_loop3A_41 : vector<16xi32>
      %parallel_loop3A_43 = arith.ori %parallel_loop3A_39, %parallel_loop3A_42 : vector<16xi32>
      %parallel_loop3A_44 = arith.xori %parallel_loop3A_43, %parallel_loop3A_36 : vector<16xi32>
      %parallel_loop3A_45 = arith.addi %parallel_loop3A_36, %parallel_loop3A_44 : vector<16xi32>
      %parallel_loop3A_46 = arith.constant 6 : i32
      %parallel_loop3A_47 = vector.broadcast %parallel_loop3A_46 : i32 to vector<16xi32>
      %parallel_loop3A_48 = arith.shli %parallel_loop3A_44, %parallel_loop3A_47 : vector<16xi32>
      %parallel_loop3A_49 = arith.constant 26 : i32
      %parallel_loop3A_50 = vector.broadcast %parallel_loop3A_49 : i32 to vector<16xi32>
      %parallel_loop3A_51 = arith.shrui %parallel_loop3A_44, %parallel_loop3A_50 : vector<16xi32>
      %parallel_loop3A_52 = arith.ori %parallel_loop3A_48, %parallel_loop3A_51 : vector<16xi32>
      %parallel_loop3A_53 = arith.xori %parallel_loop3A_52, %parallel_loop3A_45 : vector<16xi32>
      %parallel_loop3A_54 = arith.constant 1995989849 : i32
      %parallel_loop3A_55 = vector.broadcast %parallel_loop3A_54 : i32 to vector<16xi32>
      %parallel_loop3A_56 = arith.addi %parallel_loop3A_45, %parallel_loop3A_55 : vector<16xi32>
      %parallel_loop3A_57 = arith.constant 1172308732 : i32
      %parallel_loop3A_58 = vector.broadcast %parallel_loop3A_57 : i32 to vector<16xi32>
      %parallel_loop3A_59 = arith.addi %parallel_loop3A_53, %parallel_loop3A_58 : vector<16xi32>
      %parallel_loop3A_60 = arith.addi %parallel_loop3A_56, %parallel_loop3A_59 : vector<16xi32>
      %parallel_loop3A_61 = arith.constant 17 : i32
      %parallel_loop3A_62 = vector.broadcast %parallel_loop3A_61 : i32 to vector<16xi32>
      %parallel_loop3A_63 = arith.shli %parallel_loop3A_59, %parallel_loop3A_62 : vector<16xi32>
      %parallel_loop3A_64 = arith.constant 15 : i32
      %parallel_loop3A_65 = vector.broadcast %parallel_loop3A_64 : i32 to vector<16xi32>
      %parallel_loop3A_66 = arith.shrui %parallel_loop3A_59, %parallel_loop3A_65 : vector<16xi32>
      %parallel_loop3A_67 = arith.ori %parallel_loop3A_63, %parallel_loop3A_66 : vector<16xi32>
      %parallel_loop3A_68 = arith.xori %parallel_loop3A_67, %parallel_loop3A_60 : vector<16xi32>
      %parallel_loop3A_69 = arith.addi %parallel_loop3A_60, %parallel_loop3A_68 : vector<16xi32>
      %parallel_loop3A_70 = arith.constant 29 : i32
      %parallel_loop3A_71 = vector.broadcast %parallel_loop3A_70 : i32 to vector<16xi32>
      %parallel_loop3A_72 = arith.shli %parallel_loop3A_68, %parallel_loop3A_71 : vector<16xi32>
      %parallel_loop3A_73 = arith.constant 3 : i32
      %parallel_loop3A_74 = vector.broadcast %parallel_loop3A_73 : i32 to vector<16xi32>
      %parallel_loop3A_75 = arith.shrui %parallel_loop3A_68, %parallel_loop3A_74 : vector<16xi32>
      %parallel_loop3A_76 = arith.ori %parallel_loop3A_72, %parallel_loop3A_75 : vector<16xi32>
      %parallel_loop3A_77 = arith.xori %parallel_loop3A_76, %parallel_loop3A_69 : vector<16xi32>
      %parallel_loop3A_78 = arith.addi %parallel_loop3A_69, %parallel_loop3A_77 : vector<16xi32>
      %parallel_loop3A_79 = arith.constant 16 : i32
      %parallel_loop3A_80 = vector.broadcast %parallel_loop3A_79 : i32 to vector<16xi32>
      %parallel_loop3A_81 = arith.shli %parallel_loop3A_77, %parallel_loop3A_80 : vector<16xi32>
      %parallel_loop3A_82 = arith.constant 16 : i32
      %parallel_loop3A_83 = vector.broadcast %parallel_loop3A_82 : i32 to vector<16xi32>
      %parallel_loop3A_84 = arith.shrui %parallel_loop3A_77, %parallel_loop3A_83 : vector<16xi32>
      %parallel_loop3A_85 = arith.ori %parallel_loop3A_81, %parallel_loop3A_84 : vector<16xi32>
      %parallel_loop3A_86 = arith.xori %parallel_loop3A_85, %parallel_loop3A_78 : vector<16xi32>
      %parallel_loop3A_87 = arith.addi %parallel_loop3A_78, %parallel_loop3A_86 : vector<16xi32>
      %parallel_loop3A_88 = arith.constant 24 : i32
      %parallel_loop3A_89 = vector.broadcast %parallel_loop3A_88 : i32 to vector<16xi32>
      %parallel_loop3A_90 = arith.shli %parallel_loop3A_86, %parallel_loop3A_89 : vector<16xi32>
      %parallel_loop3A_91 = arith.constant 8 : i32
      %parallel_loop3A_92 = vector.broadcast %parallel_loop3A_91 : i32 to vector<16xi32>
      %parallel_loop3A_93 = arith.shrui %parallel_loop3A_86, %parallel_loop3A_92 : vector<16xi32>
      %parallel_loop3A_94 = arith.ori %parallel_loop3A_90, %parallel_loop3A_93 : vector<16xi32>
      %parallel_loop3A_95 = arith.xori %parallel_loop3A_94, %parallel_loop3A_87 : vector<16xi32>
      %parallel_loop3A_96 = arith.constant 1172308731 : i32
      %parallel_loop3A_97 = vector.broadcast %parallel_loop3A_96 : i32 to vector<16xi32>
      %parallel_loop3A_98 = arith.addi %parallel_loop3A_87, %parallel_loop3A_97 : vector<16xi32>
      %parallel_loop3A_99 = arith.constant 684292730 : i32
      %parallel_loop3A_100 = vector.broadcast %parallel_loop3A_99 : i32 to vector<16xi32>
      %parallel_loop3A_101 = arith.addi %parallel_loop3A_95, %parallel_loop3A_100 : vector<16xi32>
      %parallel_loop3A_102 = arith.addi %parallel_loop3A_98, %parallel_loop3A_101 : vector<16xi32>
      %parallel_loop3A_103 = arith.constant 13 : i32
      %parallel_loop3A_104 = vector.broadcast %parallel_loop3A_103 : i32 to vector<16xi32>
      %parallel_loop3A_105 = arith.shli %parallel_loop3A_101, %parallel_loop3A_104 : vector<16xi32>
      %parallel_loop3A_106 = arith.constant 19 : i32
      %parallel_loop3A_107 = vector.broadcast %parallel_loop3A_106 : i32 to vector<16xi32>
      %parallel_loop3A_108 = arith.shrui %parallel_loop3A_101, %parallel_loop3A_107 : vector<16xi32>
      %parallel_loop3A_109 = arith.ori %parallel_loop3A_105, %parallel_loop3A_108 : vector<16xi32>
      %parallel_loop3A_110 = arith.xori %parallel_loop3A_109, %parallel_loop3A_102 : vector<16xi32>
      %parallel_loop3A_111 = arith.addi %parallel_loop3A_102, %parallel_loop3A_110 : vector<16xi32>
      %parallel_loop3A_112 = arith.constant 15 : i32
      %parallel_loop3A_113 = vector.broadcast %parallel_loop3A_112 : i32 to vector<16xi32>
      %parallel_loop3A_114 = arith.shli %parallel_loop3A_110, %parallel_loop3A_113 : vector<16xi32>
      %parallel_loop3A_115 = arith.constant 17 : i32
      %parallel_loop3A_116 = vector.broadcast %parallel_loop3A_115 : i32 to vector<16xi32>
      %parallel_loop3A_117 = arith.shrui %parallel_loop3A_110, %parallel_loop3A_116 : vector<16xi32>
      %parallel_loop3A_118 = arith.ori %parallel_loop3A_114, %parallel_loop3A_117 : vector<16xi32>
      %parallel_loop3A_119 = arith.xori %parallel_loop3A_118, %parallel_loop3A_111 : vector<16xi32>
      %parallel_loop3A_120 = arith.addi %parallel_loop3A_111, %parallel_loop3A_119 : vector<16xi32>
      %parallel_loop3A_121 = arith.constant 26 : i32
      %parallel_loop3A_122 = vector.broadcast %parallel_loop3A_121 : i32 to vector<16xi32>
      %parallel_loop3A_123 = arith.shli %parallel_loop3A_119, %parallel_loop3A_122 : vector<16xi32>
      %parallel_loop3A_124 = arith.constant 6 : i32
      %parallel_loop3A_125 = vector.broadcast %parallel_loop3A_124 : i32 to vector<16xi32>
      %parallel_loop3A_126 = arith.shrui %parallel_loop3A_119, %parallel_loop3A_125 : vector<16xi32>
      %parallel_loop3A_127 = arith.ori %parallel_loop3A_123, %parallel_loop3A_126 : vector<16xi32>
      %parallel_loop3A_128 = arith.xori %parallel_loop3A_127, %parallel_loop3A_120 : vector<16xi32>
      %parallel_loop3A_129 = arith.addi %parallel_loop3A_120, %parallel_loop3A_128 : vector<16xi32>
      %parallel_loop3A_130 = arith.constant 6 : i32
      %parallel_loop3A_131 = vector.broadcast %parallel_loop3A_130 : i32 to vector<16xi32>
      %parallel_loop3A_132 = arith.shli %parallel_loop3A_128, %parallel_loop3A_131 : vector<16xi32>
      %parallel_loop3A_133 = arith.constant 26 : i32
      %parallel_loop3A_134 = vector.broadcast %parallel_loop3A_133 : i32 to vector<16xi32>
      %parallel_loop3A_135 = arith.shrui %parallel_loop3A_128, %parallel_loop3A_134 : vector<16xi32>
      %parallel_loop3A_136 = arith.ori %parallel_loop3A_132, %parallel_loop3A_135 : vector<16xi32>
      %parallel_loop3A_137 = arith.xori %parallel_loop3A_136, %parallel_loop3A_129 : vector<16xi32>
      %parallel_loop3A_138 = arith.constant 684292728 : i32
      %parallel_loop3A_139 = vector.broadcast %parallel_loop3A_138 : i32 to vector<16xi32>
      %parallel_loop3A_140 = arith.addi %parallel_loop3A_129, %parallel_loop3A_139 : vector<16xi32>
      %parallel_loop3A_141 = arith.constant 1995989852 : i32
      %parallel_loop3A_142 = vector.broadcast %parallel_loop3A_141 : i32 to vector<16xi32>
      %parallel_loop3A_143 = arith.addi %parallel_loop3A_137, %parallel_loop3A_142 : vector<16xi32>
      %parallel_loop3A_144 = arith.addi %parallel_loop3A_140, %parallel_loop3A_143 : vector<16xi32>
      %parallel_loop3A_145 = arith.constant 17 : i32
      %parallel_loop3A_146 = vector.broadcast %parallel_loop3A_145 : i32 to vector<16xi32>
      %parallel_loop3A_147 = arith.shli %parallel_loop3A_143, %parallel_loop3A_146 : vector<16xi32>
      %parallel_loop3A_148 = arith.constant 15 : i32
      %parallel_loop3A_149 = vector.broadcast %parallel_loop3A_148 : i32 to vector<16xi32>
      %parallel_loop3A_150 = arith.shrui %parallel_loop3A_143, %parallel_loop3A_149 : vector<16xi32>
      %parallel_loop3A_151 = arith.ori %parallel_loop3A_147, %parallel_loop3A_150 : vector<16xi32>
      %parallel_loop3A_152 = arith.xori %parallel_loop3A_151, %parallel_loop3A_144 : vector<16xi32>
      %parallel_loop3A_153 = arith.addi %parallel_loop3A_144, %parallel_loop3A_152 : vector<16xi32>
      %parallel_loop3A_154 = arith.constant 29 : i32
      %parallel_loop3A_155 = vector.broadcast %parallel_loop3A_154 : i32 to vector<16xi32>
      %parallel_loop3A_156 = arith.shli %parallel_loop3A_152, %parallel_loop3A_155 : vector<16xi32>
      %parallel_loop3A_157 = arith.constant 3 : i32
      %parallel_loop3A_158 = vector.broadcast %parallel_loop3A_157 : i32 to vector<16xi32>
      %parallel_loop3A_159 = arith.shrui %parallel_loop3A_152, %parallel_loop3A_158 : vector<16xi32>
      %parallel_loop3A_160 = arith.ori %parallel_loop3A_156, %parallel_loop3A_159 : vector<16xi32>
      %parallel_loop3A_161 = arith.xori %parallel_loop3A_160, %parallel_loop3A_153 : vector<16xi32>
      %parallel_loop3A_162 = arith.addi %parallel_loop3A_153, %parallel_loop3A_161 : vector<16xi32>
      %parallel_loop3A_163 = arith.constant 16 : i32
      %parallel_loop3A_164 = vector.broadcast %parallel_loop3A_163 : i32 to vector<16xi32>
      %parallel_loop3A_165 = arith.shli %parallel_loop3A_161, %parallel_loop3A_164 : vector<16xi32>
      %parallel_loop3A_166 = arith.constant 16 : i32
      %parallel_loop3A_167 = vector.broadcast %parallel_loop3A_166 : i32 to vector<16xi32>
      %parallel_loop3A_168 = arith.shrui %parallel_loop3A_161, %parallel_loop3A_167 : vector<16xi32>
      %parallel_loop3A_169 = arith.ori %parallel_loop3A_165, %parallel_loop3A_168 : vector<16xi32>
      %parallel_loop3A_170 = arith.xori %parallel_loop3A_169, %parallel_loop3A_162 : vector<16xi32>
      %parallel_loop3A_171 = arith.addi %parallel_loop3A_162, %parallel_loop3A_170 : vector<16xi32>
      %parallel_loop3A_172 = arith.constant 24 : i32
      %parallel_loop3A_173 = vector.broadcast %parallel_loop3A_172 : i32 to vector<16xi32>
      %parallel_loop3A_174 = arith.shli %parallel_loop3A_170, %parallel_loop3A_173 : vector<16xi32>
      %parallel_loop3A_175 = arith.constant 8 : i32
      %parallel_loop3A_176 = vector.broadcast %parallel_loop3A_175 : i32 to vector<16xi32>
      %parallel_loop3A_177 = arith.shrui %parallel_loop3A_170, %parallel_loop3A_176 : vector<16xi32>
      %parallel_loop3A_178 = arith.ori %parallel_loop3A_174, %parallel_loop3A_177 : vector<16xi32>
      %parallel_loop3A_179 = arith.xori %parallel_loop3A_178, %parallel_loop3A_171 : vector<16xi32>
      %parallel_loop3A_180 = arith.constant 1995989849 : i32
      %parallel_loop3A_181 = vector.broadcast %parallel_loop3A_180 : i32 to vector<16xi32>
      %parallel_loop3A_182 = arith.addi %parallel_loop3A_171, %parallel_loop3A_181 : vector<16xi32>
      %parallel_loop3A_183 = arith.constant 1172308735 : i32
      %parallel_loop3A_184 = vector.broadcast %parallel_loop3A_183 : i32 to vector<16xi32>
      %parallel_loop3A_185 = arith.addi %parallel_loop3A_179, %parallel_loop3A_184 : vector<16xi32>
      %parallel_loop3A_186 = arith.addi %parallel_loop3A_182, %parallel_loop3A_185 : vector<16xi32>
      %parallel_loop3A_187 = arith.constant 13 : i32
      %parallel_loop3A_188 = vector.broadcast %parallel_loop3A_187 : i32 to vector<16xi32>
      %parallel_loop3A_189 = arith.shli %parallel_loop3A_185, %parallel_loop3A_188 : vector<16xi32>
      %parallel_loop3A_190 = arith.constant 19 : i32
      %parallel_loop3A_191 = vector.broadcast %parallel_loop3A_190 : i32 to vector<16xi32>
      %parallel_loop3A_192 = arith.shrui %parallel_loop3A_185, %parallel_loop3A_191 : vector<16xi32>
      %parallel_loop3A_193 = arith.ori %parallel_loop3A_189, %parallel_loop3A_192 : vector<16xi32>
      %parallel_loop3A_194 = arith.xori %parallel_loop3A_193, %parallel_loop3A_186 : vector<16xi32>
      %parallel_loop3A_195 = arith.addi %parallel_loop3A_186, %parallel_loop3A_194 : vector<16xi32>
      %parallel_loop3A_196 = arith.constant 15 : i32
      %parallel_loop3A_197 = vector.broadcast %parallel_loop3A_196 : i32 to vector<16xi32>
      %parallel_loop3A_198 = arith.shli %parallel_loop3A_194, %parallel_loop3A_197 : vector<16xi32>
      %parallel_loop3A_199 = arith.constant 17 : i32
      %parallel_loop3A_200 = vector.broadcast %parallel_loop3A_199 : i32 to vector<16xi32>
      %parallel_loop3A_201 = arith.shrui %parallel_loop3A_194, %parallel_loop3A_200 : vector<16xi32>
      %parallel_loop3A_202 = arith.ori %parallel_loop3A_198, %parallel_loop3A_201 : vector<16xi32>
      %parallel_loop3A_203 = arith.xori %parallel_loop3A_202, %parallel_loop3A_195 : vector<16xi32>
      %parallel_loop3A_204 = arith.addi %parallel_loop3A_195, %parallel_loop3A_203 : vector<16xi32>
      %parallel_loop3A_205 = arith.constant 26 : i32
      %parallel_loop3A_206 = vector.broadcast %parallel_loop3A_205 : i32 to vector<16xi32>
      %parallel_loop3A_207 = arith.shli %parallel_loop3A_203, %parallel_loop3A_206 : vector<16xi32>
      %parallel_loop3A_208 = arith.constant 6 : i32
      %parallel_loop3A_209 = vector.broadcast %parallel_loop3A_208 : i32 to vector<16xi32>
      %parallel_loop3A_210 = arith.shrui %parallel_loop3A_203, %parallel_loop3A_209 : vector<16xi32>
      %parallel_loop3A_211 = arith.ori %parallel_loop3A_207, %parallel_loop3A_210 : vector<16xi32>
      %parallel_loop3A_212 = arith.xori %parallel_loop3A_211, %parallel_loop3A_204 : vector<16xi32>
      %parallel_loop3A_213 = arith.addi %parallel_loop3A_204, %parallel_loop3A_212 : vector<16xi32>
      %parallel_loop3A_214 = arith.constant 6 : i32
      %parallel_loop3A_215 = vector.broadcast %parallel_loop3A_214 : i32 to vector<16xi32>
      %parallel_loop3A_216 = arith.shli %parallel_loop3A_212, %parallel_loop3A_215 : vector<16xi32>
      %parallel_loop3A_217 = arith.constant 26 : i32
      %parallel_loop3A_218 = vector.broadcast %parallel_loop3A_217 : i32 to vector<16xi32>
      %parallel_loop3A_219 = arith.shrui %parallel_loop3A_212, %parallel_loop3A_218 : vector<16xi32>
      %parallel_loop3A_220 = arith.ori %parallel_loop3A_216, %parallel_loop3A_219 : vector<16xi32>
      %parallel_loop3A_221 = arith.xori %parallel_loop3A_220, %parallel_loop3A_213 : vector<16xi32>
      %parallel_loop3A_222 = arith.constant 1172308731 : i32
      %parallel_loop3A_223 = vector.broadcast %parallel_loop3A_222 : i32 to vector<16xi32>
      %parallel_loop3A_224 = arith.addi %parallel_loop3A_213, %parallel_loop3A_223 : vector<16xi32>
      %parallel_loop3A_225 = arith.constant 684292733 : i32
      %parallel_loop3A_226 = vector.broadcast %parallel_loop3A_225 : i32 to vector<16xi32>
      %parallel_loop3A_227 = arith.addi %parallel_loop3A_221, %parallel_loop3A_226 : vector<16xi32>
      %parallel_loop3A_228 = arith.xori %parallel_loop3A_224, %parallel_loop3A_227 : vector<16xi32>
      %parallel_loop3A_229 = arith.constant 9 : i32
      %parallel_loop3A_230 = vector.broadcast %parallel_loop3A_229 : i32 to vector<16xi32>
      %parallel_loop3A_231 = arith.shrui %parallel_loop3A_228, %parallel_loop3A_230 : vector<16xi32>
      %parallel_loop3A_232 = arith.constant 1677721 : i32
      %parallel_loop3A_233 = vector.broadcast %parallel_loop3A_232 : i32 to vector<16xi32>
      %parallel_loop3A_234 = arith.cmpi ule, %parallel_loop3A_231, %parallel_loop3A_233 : vector<16xi32>
      %parallel_loop3A_235 = arith.constant 0 : i32
      %parallel_loop3A_236 = vector.broadcast %parallel_loop3A_235 : i32 to vector<16xi32>
      %parallel_loop3A_237 = arith.cmpi ne, %parallel_loop3A_8, %parallel_loop3A_236 : vector<16xi32>
      %parallel_loop3A_238 = arith.andi %parallel_loop3A_234, %parallel_loop3A_237 : vector<16xi1>
      %parallel_loop3A_239 = arith.constant 2 : i32
      %parallel_loop3A_240 = vector.broadcast %parallel_loop3A_239 : i32 to vector<16xi32>
      %parallel_loop3A_241 = arith.cmpi ne, %parallel_loop3A_8, %parallel_loop3A_240 : vector<16xi32>
      %parallel_loop3A_242 = arith.andi %parallel_loop3A_238, %parallel_loop3A_241 : vector<16xi1>
      %parallel_loop3A_243 = arith.constant 0 : i32
      %parallel_loop3A_244 = vector.broadcast %parallel_loop3A_243 : i32 to vector<16xi32>
      %parallel_loop3A_245 = arith.select %parallel_loop3A_242, %parallel_loop3A_244, %parallel_loop3A_8 : vector<16xi1>, vector<16xi32>
      %parallel_loop3A_246 = arith.index_cast %parallel_loop3A_5 : i32 to index
      %parallel_loop3A_247 = tpu.vector_load %arg5[%parallel_loop3A_246] {strides = array<i32>} : memref<6144xi32, #tpu.memory_space<vmem>>, vector<16xi32>,
      %parallel_loop3A_248 = vector.shape_cast %parallel_loop3A_247 : vector<16xi32> to vector<16xi32>
      %parallel_loop3A_249 = vector.shape_cast %parallel_loop3A_245 : vector<16xi32> to vector<16xi32>
      tpu.vector_store %arg5[%parallel_loop3A_246], %parallel_loop3A_249 {strides = array<i32>} : memref<6144xi32, #tpu.memory_space<vmem>>, vector<16xi32>,
    } {sc.loop_unroll_factor = 8 : i64, sc.parallel_access}
    "tpu.region"() ({
      %run_scoped3A = tpu.sem_alloc : memref<!tpu.dma_semaphore, #tpu.memory_space<semaphore_mem>>
      %dma_start3A = tpu.memref_slice %arg3[%mul3A_2] : memref<196608xi32, #tpu.memory_space<hbm>> -> memref<6144xi32, #tpu.memory_space<hbm>>
      %dma_start3A_5 = tpu.memref_slice %arg3[%mul3A_2] : memref<196608xi32, #tpu.memory_space<hbm>> -> memref<6144xi32, #tpu.memory_space<hbm>>
      tpu.enqueue_dma source(%arg5 : memref<6144xi32, #tpu.memory_space<vmem>>) target(%dma_start3A_5 : memref<6144xi32, #tpu.memory_space<hbm>>) target_semaphore(%run_scoped3A : memref<!tpu.dma_semaphore, #tpu.memory_space<semaphore_mem>>)
      %dma_wait3A = tpu.memref_slice %arg3[%mul3A_2] : memref<196608xi32, #tpu.memory_space<hbm>> -> memref<6144xi32, #tpu.memory_space<hbm>>
      %dma_wait3A_6 = tpu.memref_slice %arg3[%mul3A_2] : memref<196608xi32, #tpu.memory_space<hbm>> -> memref<6144xi32, #tpu.memory_space<hbm>>
      tpu.wait_dma2 semaphore(%run_scoped3A : memref<!tpu.dma_semaphore, #tpu.memory_space<semaphore_mem>>) src(%arg5 : memref<6144xi32, #tpu.memory_space<vmem>>) dst(%dma_wait3A_6 : memref<6144xi32, #tpu.memory_space<hbm>>)
      tpu.yield
    }) : () -> ()
    return
  }
}

module attributes {stable_mosaic.version = 14 : i64} {
  func.func @_tc_body(%arg0: i32, %arg1: memref<8x8192xi32, #tpu.memory_space<vmem>>, %arg2: memref<8x8192xi32, #tpu.memory_space<vmem>>) attributes {dimension_semantics = [#tpu.dimension_semantics<arbitrary>], iteration_bounds = array<i64: 13>, scalar_prefetch = 0 : i64, scratch_operands = 0 : i64, tpu.core_type = #tpu.core_type<tc>, window_params = [{transform_indices = @transform_0, window_bounds = array<i64: 8, 8192>}, {transform_indices = @transform_1, window_bounds = array<i64: 8, 8192>}]} {
    %mul3A = arith.constant 8 : i32
    %mul3A_0 = arith.muli %arg0, %mul3A : i32
    %iota3A = tpu.iota {dimensions = array<i32: 0>} : vector<8x8192xi32>
    %iota3A_1 = tpu.iota {dimensions = array<i32: 1>} : vector<8x8192xi32>
    %mul3A_2 = arith.constant 8192 : i32
    %mul3A_3 = arith.muli %mul3A_0, %mul3A_2 : i32
    %add3A = arith.constant 1995989849 : i32
    %add3A_4 = arith.addi %mul3A_3, %add3A : i32
    %shift_left3A = arith.constant 13 : i32
    %shift_left3A_5 = vector.broadcast %shift_left3A : i32 to vector<8x8192xi32>
    %shift_left3A_6 = arith.shli %iota3A, %shift_left3A_5 : vector<8x8192xi32>
    %add3A_7 = arith.addi %shift_left3A_6, %iota3A_1 : vector<8x8192xi32>
    %add3A_8 = vector.broadcast %add3A_4 : i32 to vector<8x8192xi32>
    %add3A_9 = arith.addi %add3A_7, %add3A_8 : vector<8x8192xi32>
    %get3A = arith.constant 0 : index
    %get3A_10 = arith.constant 0 : index
    %get3A_11 = vector.load %arg1[%get3A, %get3A_10] : memref<8x8192xi32, #tpu.memory_space<vmem>>, vector<8x8192xi32>
    %add3A_12 = arith.constant 684292728 : i32
    %add3A_13 = vector.broadcast %add3A_12 : i32 to vector<8x8192xi32>
    %add3A_14 = arith.addi %add3A_9, %add3A_13 : vector<8x8192xi32>
    %shift_left3A_15 = arith.constant 13 : i32
    %shift_left3A_16 = vector.broadcast %shift_left3A_15 : i32 to vector<8x8192xi32>
    %shift_left3A_17 = arith.shli %add3A_9, %shift_left3A_16 : vector<8x8192xi32>
    %shift_right_logical3A = arith.constant 19 : i32
    %shift_right_logical3A_18 = vector.broadcast %shift_right_logical3A : i32 to vector<8x8192xi32>
    %shift_right_logical3A_19 = arith.shrui %add3A_9, %shift_right_logical3A_18 : vector<8x8192xi32>
    %or3A = arith.ori %shift_left3A_17, %shift_right_logical3A_19 : vector<8x8192xi32>
    %xor3A = arith.xori %or3A, %add3A_14 : vector<8x8192xi32>
    %add3A_20 = arith.addi %add3A_14, %xor3A : vector<8x8192xi32>
    %shift_left3A_21 = arith.constant 15 : i32
    %shift_left3A_22 = vector.broadcast %shift_left3A_21 : i32 to vector<8x8192xi32>
    %shift_left3A_23 = arith.shli %xor3A, %shift_left3A_22 : vector<8x8192xi32>
    %shift_right_logical3A_24 = arith.constant 17 : i32
    %shift_right_logical3A_25 = vector.broadcast %shift_right_logical3A_24 : i32 to vector<8x8192xi32>
    %shift_right_logical3A_26 = arith.shrui %xor3A, %shift_right_logical3A_25 : vector<8x8192xi32>
    %or3A_27 = arith.ori %shift_left3A_23, %shift_right_logical3A_26 : vector<8x8192xi32>
    %xor3A_28 = arith.xori %or3A_27, %add3A_20 : vector<8x8192xi32>
    %add3A_29 = arith.addi %add3A_20, %xor3A_28 : vector<8x8192xi32>
    %shift_left3A_30 = arith.constant 26 : i32
    %shift_left3A_31 = vector.broadcast %shift_left3A_30 : i32 to vector<8x8192xi32>
    %shift_left3A_32 = arith.shli %xor3A_28, %shift_left3A_31 : vector<8x8192xi32>
    %shift_right_logical3A_33 = arith.constant 6 : i32
    %shift_right_logical3A_34 = vector.broadcast %shift_right_logical3A_33 : i32 to vector<8x8192xi32>
    %shift_right_logical3A_35 = arith.shrui %xor3A_28, %shift_right_logical3A_34 : vector<8x8192xi32>
    %or3A_36 = arith.ori %shift_left3A_32, %shift_right_logical3A_35 : vector<8x8192xi32>
    %xor3A_37 = arith.xori %or3A_36, %add3A_29 : vector<8x8192xi32>
    %add3A_38 = arith.addi %add3A_29, %xor3A_37 : vector<8x8192xi32>
    %shift_left3A_39 = arith.constant 6 : i32
    %shift_left3A_40 = vector.broadcast %shift_left3A_39 : i32 to vector<8x8192xi32>
    %shift_left3A_41 = arith.shli %xor3A_37, %shift_left3A_40 : vector<8x8192xi32>
    %shift_right_logical3A_42 = arith.constant 26 : i32
    %shift_right_logical3A_43 = vector.broadcast %shift_right_logical3A_42 : i32 to vector<8x8192xi32>
    %shift_right_logical3A_44 = arith.shrui %xor3A_37, %shift_right_logical3A_43 : vector<8x8192xi32>
    %or3A_45 = arith.ori %shift_left3A_41, %shift_right_logical3A_44 : vector<8x8192xi32>
    %xor3A_46 = arith.xori %or3A_45, %add3A_38 : vector<8x8192xi32>
    %add3A_47 = arith.constant 1995989849 : i32
    %add3A_48 = vector.broadcast %add3A_47 : i32 to vector<8x8192xi32>
    %add3A_49 = arith.addi %add3A_38, %add3A_48 : vector<8x8192xi32>
    %add3A_50 = arith.constant 1172308732 : i32
    %add3A_51 = vector.broadcast %add3A_50 : i32 to vector<8x8192xi32>
    %add3A_52 = arith.addi %xor3A_46, %add3A_51 : vector<8x8192xi32>
    %add3A_53 = arith.addi %add3A_49, %add3A_52 : vector<8x8192xi32>
    %shift_left3A_54 = arith.constant 17 : i32
    %shift_left3A_55 = vector.broadcast %shift_left3A_54 : i32 to vector<8x8192xi32>
    %shift_left3A_56 = arith.shli %add3A_52, %shift_left3A_55 : vector<8x8192xi32>
    %shift_right_logical3A_57 = arith.constant 15 : i32
    %shift_right_logical3A_58 = vector.broadcast %shift_right_logical3A_57 : i32 to vector<8x8192xi32>
    %shift_right_logical3A_59 = arith.shrui %add3A_52, %shift_right_logical3A_58 : vector<8x8192xi32>
    %or3A_60 = arith.ori %shift_left3A_56, %shift_right_logical3A_59 : vector<8x8192xi32>
    %xor3A_61 = arith.xori %or3A_60, %add3A_53 : vector<8x8192xi32>
    %add3A_62 = arith.addi %add3A_53, %xor3A_61 : vector<8x8192xi32>
    %shift_left3A_63 = arith.constant 29 : i32
    %shift_left3A_64 = vector.broadcast %shift_left3A_63 : i32 to vector<8x8192xi32>
    %shift_left3A_65 = arith.shli %xor3A_61, %shift_left3A_64 : vector<8x8192xi32>
    %shift_right_logical3A_66 = arith.constant 3 : i32
    %shift_right_logical3A_67 = vector.broadcast %shift_right_logical3A_66 : i32 to vector<8x8192xi32>
    %shift_right_logical3A_68 = arith.shrui %xor3A_61, %shift_right_logical3A_67 : vector<8x8192xi32>
    %or3A_69 = arith.ori %shift_left3A_65, %shift_right_logical3A_68 : vector<8x8192xi32>
    %xor3A_70 = arith.xori %or3A_69, %add3A_62 : vector<8x8192xi32>
    %add3A_71 = arith.addi %add3A_62, %xor3A_70 : vector<8x8192xi32>
    %shift_left3A_72 = arith.constant 16 : i32
    %shift_left3A_73 = vector.broadcast %shift_left3A_72 : i32 to vector<8x8192xi32>
    %shift_left3A_74 = arith.shli %xor3A_70, %shift_left3A_73 : vector<8x8192xi32>
    %shift_right_logical3A_75 = arith.constant 16 : i32
    %shift_right_logical3A_76 = vector.broadcast %shift_right_logical3A_75 : i32 to vector<8x8192xi32>
    %shift_right_logical3A_77 = arith.shrui %xor3A_70, %shift_right_logical3A_76 : vector<8x8192xi32>
    %or3A_78 = arith.ori %shift_left3A_74, %shift_right_logical3A_77 : vector<8x8192xi32>
    %xor3A_79 = arith.xori %or3A_78, %add3A_71 : vector<8x8192xi32>
    %add3A_80 = arith.addi %add3A_71, %xor3A_79 : vector<8x8192xi32>
    %shift_left3A_81 = arith.constant 24 : i32
    %shift_left3A_82 = vector.broadcast %shift_left3A_81 : i32 to vector<8x8192xi32>
    %shift_left3A_83 = arith.shli %xor3A_79, %shift_left3A_82 : vector<8x8192xi32>
    %shift_right_logical3A_84 = arith.constant 8 : i32
    %shift_right_logical3A_85 = vector.broadcast %shift_right_logical3A_84 : i32 to vector<8x8192xi32>
    %shift_right_logical3A_86 = arith.shrui %xor3A_79, %shift_right_logical3A_85 : vector<8x8192xi32>
    %or3A_87 = arith.ori %shift_left3A_83, %shift_right_logical3A_86 : vector<8x8192xi32>
    %xor3A_88 = arith.xori %or3A_87, %add3A_80 : vector<8x8192xi32>
    %add3A_89 = arith.constant 1172308731 : i32
    %add3A_90 = vector.broadcast %add3A_89 : i32 to vector<8x8192xi32>
    %add3A_91 = arith.addi %add3A_80, %add3A_90 : vector<8x8192xi32>
    %add3A_92 = arith.constant 684292730 : i32
    %add3A_93 = vector.broadcast %add3A_92 : i32 to vector<8x8192xi32>
    %add3A_94 = arith.addi %xor3A_88, %add3A_93 : vector<8x8192xi32>
    %add3A_95 = arith.addi %add3A_91, %add3A_94 : vector<8x8192xi32>
    %shift_left3A_96 = arith.constant 13 : i32
    %shift_left3A_97 = vector.broadcast %shift_left3A_96 : i32 to vector<8x8192xi32>
    %shift_left3A_98 = arith.shli %add3A_94, %shift_left3A_97 : vector<8x8192xi32>
    %shift_right_logical3A_99 = arith.constant 19 : i32
    %shift_right_logical3A_100 = vector.broadcast %shift_right_logical3A_99 : i32 to vector<8x8192xi32>
    %shift_right_logical3A_101 = arith.shrui %add3A_94, %shift_right_logical3A_100 : vector<8x8192xi32>
    %or3A_102 = arith.ori %shift_left3A_98, %shift_right_logical3A_101 : vector<8x8192xi32>
    %xor3A_103 = arith.xori %or3A_102, %add3A_95 : vector<8x8192xi32>
    %add3A_104 = arith.addi %add3A_95, %xor3A_103 : vector<8x8192xi32>
    %shift_left3A_105 = arith.constant 15 : i32
    %shift_left3A_106 = vector.broadcast %shift_left3A_105 : i32 to vector<8x8192xi32>
    %shift_left3A_107 = arith.shli %xor3A_103, %shift_left3A_106 : vector<8x8192xi32>
    %shift_right_logical3A_108 = arith.constant 17 : i32
    %shift_right_logical3A_109 = vector.broadcast %shift_right_logical3A_108 : i32 to vector<8x8192xi32>
    %shift_right_logical3A_110 = arith.shrui %xor3A_103, %shift_right_logical3A_109 : vector<8x8192xi32>
    %or3A_111 = arith.ori %shift_left3A_107, %shift_right_logical3A_110 : vector<8x8192xi32>
    %xor3A_112 = arith.xori %or3A_111, %add3A_104 : vector<8x8192xi32>
    %add3A_113 = arith.addi %add3A_104, %xor3A_112 : vector<8x8192xi32>
    %shift_left3A_114 = arith.constant 26 : i32
    %shift_left3A_115 = vector.broadcast %shift_left3A_114 : i32 to vector<8x8192xi32>
    %shift_left3A_116 = arith.shli %xor3A_112, %shift_left3A_115 : vector<8x8192xi32>
    %shift_right_logical3A_117 = arith.constant 6 : i32
    %shift_right_logical3A_118 = vector.broadcast %shift_right_logical3A_117 : i32 to vector<8x8192xi32>
    %shift_right_logical3A_119 = arith.shrui %xor3A_112, %shift_right_logical3A_118 : vector<8x8192xi32>
    %or3A_120 = arith.ori %shift_left3A_116, %shift_right_logical3A_119 : vector<8x8192xi32>
    %xor3A_121 = arith.xori %or3A_120, %add3A_113 : vector<8x8192xi32>
    %add3A_122 = arith.addi %add3A_113, %xor3A_121 : vector<8x8192xi32>
    %shift_left3A_123 = arith.constant 6 : i32
    %shift_left3A_124 = vector.broadcast %shift_left3A_123 : i32 to vector<8x8192xi32>
    %shift_left3A_125 = arith.shli %xor3A_121, %shift_left3A_124 : vector<8x8192xi32>
    %shift_right_logical3A_126 = arith.constant 26 : i32
    %shift_right_logical3A_127 = vector.broadcast %shift_right_logical3A_126 : i32 to vector<8x8192xi32>
    %shift_right_logical3A_128 = arith.shrui %xor3A_121, %shift_right_logical3A_127 : vector<8x8192xi32>
    %or3A_129 = arith.ori %shift_left3A_125, %shift_right_logical3A_128 : vector<8x8192xi32>
    %xor3A_130 = arith.xori %or3A_129, %add3A_122 : vector<8x8192xi32>
    %add3A_131 = arith.constant 684292728 : i32
    %add3A_132 = vector.broadcast %add3A_131 : i32 to vector<8x8192xi32>
    %add3A_133 = arith.addi %add3A_122, %add3A_132 : vector<8x8192xi32>
    %add3A_134 = arith.constant 1995989852 : i32
    %add3A_135 = vector.broadcast %add3A_134 : i32 to vector<8x8192xi32>
    %add3A_136 = arith.addi %xor3A_130, %add3A_135 : vector<8x8192xi32>
    %add3A_137 = arith.addi %add3A_133, %add3A_136 : vector<8x8192xi32>
    %shift_left3A_138 = arith.constant 17 : i32
    %shift_left3A_139 = vector.broadcast %shift_left3A_138 : i32 to vector<8x8192xi32>
    %shift_left3A_140 = arith.shli %add3A_136, %shift_left3A_139 : vector<8x8192xi32>
    %shift_right_logical3A_141 = arith.constant 15 : i32
    %shift_right_logical3A_142 = vector.broadcast %shift_right_logical3A_141 : i32 to vector<8x8192xi32>
    %shift_right_logical3A_143 = arith.shrui %add3A_136, %shift_right_logical3A_142 : vector<8x8192xi32>
    %or3A_144 = arith.ori %shift_left3A_140, %shift_right_logical3A_143 : vector<8x8192xi32>
    %xor3A_145 = arith.xori %or3A_144, %add3A_137 : vector<8x8192xi32>
    %add3A_146 = arith.addi %add3A_137, %xor3A_145 : vector<8x8192xi32>
    %shift_left3A_147 = arith.constant 29 : i32
    %shift_left3A_148 = vector.broadcast %shift_left3A_147 : i32 to vector<8x8192xi32>
    %shift_left3A_149 = arith.shli %xor3A_145, %shift_left3A_148 : vector<8x8192xi32>
    %shift_right_logical3A_150 = arith.constant 3 : i32
    %shift_right_logical3A_151 = vector.broadcast %shift_right_logical3A_150 : i32 to vector<8x8192xi32>
    %shift_right_logical3A_152 = arith.shrui %xor3A_145, %shift_right_logical3A_151 : vector<8x8192xi32>
    %or3A_153 = arith.ori %shift_left3A_149, %shift_right_logical3A_152 : vector<8x8192xi32>
    %xor3A_154 = arith.xori %or3A_153, %add3A_146 : vector<8x8192xi32>
    %add3A_155 = arith.addi %add3A_146, %xor3A_154 : vector<8x8192xi32>
    %shift_left3A_156 = arith.constant 16 : i32
    %shift_left3A_157 = vector.broadcast %shift_left3A_156 : i32 to vector<8x8192xi32>
    %shift_left3A_158 = arith.shli %xor3A_154, %shift_left3A_157 : vector<8x8192xi32>
    %shift_right_logical3A_159 = arith.constant 16 : i32
    %shift_right_logical3A_160 = vector.broadcast %shift_right_logical3A_159 : i32 to vector<8x8192xi32>
    %shift_right_logical3A_161 = arith.shrui %xor3A_154, %shift_right_logical3A_160 : vector<8x8192xi32>
    %or3A_162 = arith.ori %shift_left3A_158, %shift_right_logical3A_161 : vector<8x8192xi32>
    %xor3A_163 = arith.xori %or3A_162, %add3A_155 : vector<8x8192xi32>
    %add3A_164 = arith.addi %add3A_155, %xor3A_163 : vector<8x8192xi32>
    %shift_left3A_165 = arith.constant 24 : i32
    %shift_left3A_166 = vector.broadcast %shift_left3A_165 : i32 to vector<8x8192xi32>
    %shift_left3A_167 = arith.shli %xor3A_163, %shift_left3A_166 : vector<8x8192xi32>
    %shift_right_logical3A_168 = arith.constant 8 : i32
    %shift_right_logical3A_169 = vector.broadcast %shift_right_logical3A_168 : i32 to vector<8x8192xi32>
    %shift_right_logical3A_170 = arith.shrui %xor3A_163, %shift_right_logical3A_169 : vector<8x8192xi32>
    %or3A_171 = arith.ori %shift_left3A_167, %shift_right_logical3A_170 : vector<8x8192xi32>
    %xor3A_172 = arith.xori %or3A_171, %add3A_164 : vector<8x8192xi32>
    %add3A_173 = arith.constant 1995989849 : i32
    %add3A_174 = vector.broadcast %add3A_173 : i32 to vector<8x8192xi32>
    %add3A_175 = arith.addi %add3A_164, %add3A_174 : vector<8x8192xi32>
    %add3A_176 = arith.constant 1172308735 : i32
    %add3A_177 = vector.broadcast %add3A_176 : i32 to vector<8x8192xi32>
    %add3A_178 = arith.addi %xor3A_172, %add3A_177 : vector<8x8192xi32>
    %add3A_179 = arith.addi %add3A_175, %add3A_178 : vector<8x8192xi32>
    %shift_left3A_180 = arith.constant 13 : i32
    %shift_left3A_181 = vector.broadcast %shift_left3A_180 : i32 to vector<8x8192xi32>
    %shift_left3A_182 = arith.shli %add3A_178, %shift_left3A_181 : vector<8x8192xi32>
    %shift_right_logical3A_183 = arith.constant 19 : i32
    %shift_right_logical3A_184 = vector.broadcast %shift_right_logical3A_183 : i32 to vector<8x8192xi32>
    %shift_right_logical3A_185 = arith.shrui %add3A_178, %shift_right_logical3A_184 : vector<8x8192xi32>
    %or3A_186 = arith.ori %shift_left3A_182, %shift_right_logical3A_185 : vector<8x8192xi32>
    %xor3A_187 = arith.xori %or3A_186, %add3A_179 : vector<8x8192xi32>
    %add3A_188 = arith.addi %add3A_179, %xor3A_187 : vector<8x8192xi32>
    %shift_left3A_189 = arith.constant 15 : i32
    %shift_left3A_190 = vector.broadcast %shift_left3A_189 : i32 to vector<8x8192xi32>
    %shift_left3A_191 = arith.shli %xor3A_187, %shift_left3A_190 : vector<8x8192xi32>
    %shift_right_logical3A_192 = arith.constant 17 : i32
    %shift_right_logical3A_193 = vector.broadcast %shift_right_logical3A_192 : i32 to vector<8x8192xi32>
    %shift_right_logical3A_194 = arith.shrui %xor3A_187, %shift_right_logical3A_193 : vector<8x8192xi32>
    %or3A_195 = arith.ori %shift_left3A_191, %shift_right_logical3A_194 : vector<8x8192xi32>
    %xor3A_196 = arith.xori %or3A_195, %add3A_188 : vector<8x8192xi32>
    %add3A_197 = arith.addi %add3A_188, %xor3A_196 : vector<8x8192xi32>
    %shift_left3A_198 = arith.constant 26 : i32
    %shift_left3A_199 = vector.broadcast %shift_left3A_198 : i32 to vector<8x8192xi32>
    %shift_left3A_200 = arith.shli %xor3A_196, %shift_left3A_199 : vector<8x8192xi32>
    %shift_right_logical3A_201 = arith.constant 6 : i32
    %shift_right_logical3A_202 = vector.broadcast %shift_right_logical3A_201 : i32 to vector<8x8192xi32>
    %shift_right_logical3A_203 = arith.shrui %xor3A_196, %shift_right_logical3A_202 : vector<8x8192xi32>
    %or3A_204 = arith.ori %shift_left3A_200, %shift_right_logical3A_203 : vector<8x8192xi32>
    %xor3A_205 = arith.xori %or3A_204, %add3A_197 : vector<8x8192xi32>
    %add3A_206 = arith.addi %add3A_197, %xor3A_205 : vector<8x8192xi32>
    %shift_left3A_207 = arith.constant 6 : i32
    %shift_left3A_208 = vector.broadcast %shift_left3A_207 : i32 to vector<8x8192xi32>
    %shift_left3A_209 = arith.shli %xor3A_205, %shift_left3A_208 : vector<8x8192xi32>
    %shift_right_logical3A_210 = arith.constant 26 : i32
    %shift_right_logical3A_211 = vector.broadcast %shift_right_logical3A_210 : i32 to vector<8x8192xi32>
    %shift_right_logical3A_212 = arith.shrui %xor3A_205, %shift_right_logical3A_211 : vector<8x8192xi32>
    %or3A_213 = arith.ori %shift_left3A_209, %shift_right_logical3A_212 : vector<8x8192xi32>
    %xor3A_214 = arith.xori %or3A_213, %add3A_206 : vector<8x8192xi32>
    %add3A_215 = arith.constant 1172308731 : i32
    %add3A_216 = vector.broadcast %add3A_215 : i32 to vector<8x8192xi32>
    %add3A_217 = arith.addi %add3A_206, %add3A_216 : vector<8x8192xi32>
    %add3A_218 = arith.constant 684292733 : i32
    %add3A_219 = vector.broadcast %add3A_218 : i32 to vector<8x8192xi32>
    %add3A_220 = arith.addi %xor3A_214, %add3A_219 : vector<8x8192xi32>
    %xor3A_221 = arith.xori %add3A_217, %add3A_220 : vector<8x8192xi32>
    %shift_right_logical3A_222 = arith.constant 9 : i32
    %shift_right_logical3A_223 = vector.broadcast %shift_right_logical3A_222 : i32 to vector<8x8192xi32>
    %shift_right_logical3A_224 = arith.shrui %xor3A_221, %shift_right_logical3A_223 : vector<8x8192xi32>
    %le3A = arith.constant 1677721 : i32
    %le3A_225 = vector.broadcast %le3A : i32 to vector<8x8192xi32>
    %le3A_226 = arith.cmpi ule, %shift_right_logical3A_224, %le3A_225 : vector<8x8192xi32>
    %ne3A = arith.constant 0 : i32
    %ne3A_227 = vector.broadcast %ne3A : i32 to vector<8x8192xi32>
    %ne3A_228 = arith.cmpi ne, %get3A_11, %ne3A_227 : vector<8x8192xi32>
    %and3A = arith.andi %le3A_226, %ne3A_228 : vector<8x8192xi1>
    %ne3A_229 = arith.constant 2 : i32
    %ne3A_230 = vector.broadcast %ne3A_229 : i32 to vector<8x8192xi32>
    %ne3A_231 = arith.cmpi ne, %get3A_11, %ne3A_230 : vector<8x8192xi32>
    %and3A_232 = arith.andi %and3A, %ne3A_231 : vector<8x8192xi1>
    %broadcast_in_dim3A = arith.constant 0 : i32
    %broadcast_in_dim3A_233 = vector.broadcast %broadcast_in_dim3A : i32 to vector<8x8192xi32>
    %select_n3A = arith.select %and3A_232, %broadcast_in_dim3A_233, %get3A_11 : vector<8x8192xi1>, vector<8x8192xi32>
    %swap3A = arith.constant 0 : index
    %swap3A_234 = arith.constant 0 : index
    %swap3A_235 = vector.load %arg2[%swap3A, %swap3A_234] : memref<8x8192xi32, #tpu.memory_space<vmem>>, vector<8x8192xi32>
    tpu.vector_store %arg2[%swap3A, %swap3A_234], %select_n3A {strides = array<i32>} : memref<8x8192xi32, #tpu.memory_space<vmem>>, vector<8x8192xi32>,
    return
  }
  func.func @transform_0(%arg0: i32) -> (i32, i32) {
    %c0_i32 = arith.constant 0 : i32
    %c0_i32_0 = arith.constant 0 : i32
    return %arg0, %c0_i32 : i32, i32
  }
  func.func @transform_1(%arg0: i32) -> (i32, i32) {
    %c0_i32 = arith.constant 0 : i32
    %c0_i32_0 = arith.constant 0 : i32
    return %arg0, %c0_i32 : i32, i32
  }
}

</mosaic_0001>

<sc_bundles>
// kernel: kernel.4.cloned.1.call-start
scs
__scs_entry_jumppad:
0x0: {  	(pc) =	sbr.rel $0x88, $3  }
0x1: {  	(tag) =	ssettag $0x0;
	lr =	simm.s32 $0x1  }
0x2: {  	[smem:$0x3FA0] =	sst lr;
	_ =	strace $0xD0000000  }
0x3: {  	_ = 	snop  }
0x4: {  	_ = 	snop  }
0x5: {  	_ = 	snop  }
0x6: {  	_ = 	snop  }
0x7: {  	_ = 	snop  }
__scs_overlays_trampoline_lowered:
0x8: {  	[smem:$0x3FAF] =	sst s0  }
0x9: {  	[smem:$0x3FB0] =	sst s1  }
0xa: {  	[smem:$0x3FB1] =	sst s2  }
0xb: {  	[smem:$0x3FB2] =	sst s3  }
0xc: {  	[smem:$0x3FB3] =	sst s4  }
0xd: {  	[smem:$0x3FB4] =	sst s5  }
0xe: {  	[smem:$0x3FB5] =	sst s6  }
0xf: {  	[smem:$0x3FB6] =	sst s7  }
0x10: {  	[smem:$0x3FB7] =	sst s8  }
0x11: {  	[smem:$0x3FB8] =	sst s9;
	s0 =	simm.s32 @!p0 $0x0  }
0x12: {  	s1 =	sld [smem:$0x3F9E];
	s0 =	simm.s32 @p0 $0x1  }
0x13: {  	[smem:$0x3FB9] =	sst s0;
	s0 =	simm.s32 @!p1 $0x0  }
0x14: {  	s2 =	sld [smem:$0x3F9D];
	s0 =	simm.s32 @p1 $0x1  }
0x15: {  	[smem:$0x3FBA] =	sst s0;
	s0 =	simm.s32 @!p2 $0x0  }
0x16: {  	s3 =	sld [smem:$0x3FDB];
	s0 =	simm.s32 @p2 $0x1  }
0x17: {  	s4 =	simm.s32 $0x1BF5;
	[smem:$0x3FBC] =	sst s0  }
0x18: {  	s0 =	sld [smem:$0x3F9F];
	_ =	swait.ge [sflag:s4], $0x0  }
0x19: {  	s7 =	sld [smem:$0x3FA0]  }
0x1a: {  	s8 =	sadd.s32 $0xFFFFE003, lr  }
0x1b: {  	s9 =	sadd.s32 $0xFFFFFEF7, lr;
	s5 =	simm.s32 $0xFFFFFFFF;
	p2 =	slt.u32 s8, $0xFFFFF086  }
0x1c: {  	p1 =	slt.u32 s9, $0xF7A;
	s5 =	simm.s32 @!p2 $0x0  }
0x1d: {  	s5 =	simm.s32 @p1 $0x1;
	p0 =	seq.s32 s7, s2  }
0x1e: {  	s7 =	smul.u32 @!p0 $0xF7A, s2;
	p2 =	seq.s32 @!p0 s5, $0x0  }
0x1f: {  	s9 =	smul.u32 $0xF7A, s1;
	s8 =	simm.s32 @!p0 $0x1BF5;
	p2 =	por !p2, p0  }
0x20: {  	[sflag:s8] =	ssyncset.s32 @!p0 $0xFFFFF086;
	s6 =	sadd.s32 @!p0 s3, s7;
	s7 =	simm.s32 @!p0 $0x108  }
0x21: {  	s3 =	sadd.s32 s3, s9;
	s6 =	sadd.s32 @!p0 $0x88, s6;
	s7 =	simm.s32 @p2 $0x1082  }
0x22: {  	[simem:s7], [sflag:s8] =	dma.local @!p0 [hbm:s6], $0xF7A  }
0x23: {  	s9 =	sor.u32 $0xD0000000, s2;
	s6 =	simm.s32 $0x108;
	_ =	swait.ge @!p0 [sflag:s8], $0x0  }
0x24: {  	s3 =	sadd.s32 $0x88, s3;
	s6 =	simm.s32 @!p1 $0x1082;
	[sflag:s4] =	ssyncset.s32 $0xFFFFF086  }
0x25: {  	[simem:s6], [sflag:s4] =	dma.local [hbm:s3], $0xF7A  }
0x26: {  	[smem:$0x3FA0] =	sst s1;
	(tag) =	ssettag s2;
	_ =	strace s9  }
0x27: {  	s1 =	sld [smem:$0x3FB0]  }
0x28: {  	s2 =	sld [smem:$0x3FB1]  }
0x29: {  	s4 =	sld [smem:$0x3FB3]  }
0x2a: {  	p0 =	seq.s32 s5, $0x0;
	s5 =	sld [smem:$0x3FB4]  }
0x2b: {  	s6 =	sld [smem:$0x3FB5]  }
0x2c: {  	s7 =	sld [smem:$0x3FB6]  }
0x2d: {  	s3 =	simm.s32 $0x108;
	s8 =	sld [smem:$0x3FB7]  }
0x2e: {  	s3 =	simm.s32 @!p0 $0x1082;
	s9 =	sld [smem:$0x3FB8]  }
0x2f: {  	lr =	sadd.s32 s0, s3;
	s0 =	sld [smem:$0x3FAF]  }
0x30: {  	s3 =	sld [smem:$0x3FB2]  }
0x31: {  	[smem:$0x3FBB] =	sst s10  }
0x32: {  	s10 =	sld [smem:$0x3FB9];
	_ =	sdelay $0x3  }
0x33: {  	p0 =	seq.s32 s10, $0x1;
	s10 =	sld [smem:$0x3FBB];
	_ =	sdelay $0x3  }
0x34: {  	[smem:$0x3FBB] =	sst s10  }
0x35: {  	s10 =	sld [smem:$0x3FBA];
	_ =	sdelay $0x3  }
0x36: {  	p1 =	seq.s32 s10, $0x1;
	s10 =	sld [smem:$0x3FBB];
	_ =	sdelay $0x3  }
0x37: {  	[smem:$0x3FBB] =	sst s10  }
0x38: {  	s10 =	sld [smem:$0x3FBC]  }
0x39: {  	_ = 	snop;
	(pc) =	sbr.ind lr, $3  }
0x3a: {  	_ = 	snop  }
0x3b: {  	_ = 	snop  }
0x3c: {  	p2 =	seq.s32 s10, $0x1;
	s10 =	sld [smem:$0x3FBB]  }
0x3d: {  	_ =	shalt  }
0x3e: {  	_ =	shalt  }
0x3f: {  	_ =	shalt  }
0x40: {  	_ =	shalt  }
0x41: {  	_ =	shalt  }
0x42: {  	_ =	shalt  }
0x43: {  	_ =	shalt  }
0x44: {  	_ =	shalt  }
0x45: {  	_ =	shalt  }
0x46: {  	_ =	shalt  }
0x47: {  	_ =	shalt  }
0x48: {  	_ =	shalt  }
0x49: {  	_ =	shalt  }
0x4a: {  	_ =	shalt  }
0x4b: {  	_ =	shalt  }
0x4c: {  	_ =	shalt  }
0x4d: {  	_ =	shalt  }
0x4e: {  	_ =	shalt  }
0x4f: {  	_ =	shalt  }
0x50: {  	_ =	shalt  }
0x51: {  	_ =	shalt  }
0x52: {  	_ =	shalt  }
0x53: {  	_ =	shalt  }
0x54: {  	_ =	shalt  }
0x55: {  	_ =	shalt  }
0x56: {  	_ =	shalt  }
0x57: {  	_ =	shalt  }
0x58: {  	_ =	shalt  }
0x59: {  	_ =	shalt  }
0x5a: {  	_ =	shalt  }
0x5b: {  	_ =	shalt  }
0x5c: {  	_ =	shalt  }
0x5d: {  	_ =	shalt  }
0x5e: {  	_ =	shalt  }
0x5f: {  	_ =	shalt  }
0x60: {  	_ =	shalt  }
0x61: {  	_ =	shalt  }
0x62: {  	_ =	shalt  }
0x63: {  	_ =	shalt  }
0x64: {  	_ =	shalt  }
0x65: {  	_ =	shalt  }
0x66: {  	_ =	shalt  }
0x67: {  	_ =	shalt  }
0x68: {  	_ =	shalt  }
0x69: {  	_ =	shalt  }
0x6a: {  	_ =	shalt  }
0x6b: {  	_ =	shalt  }
0x6c: {  	_ =	shalt  }
0x6d: {  	_ =	shalt  }
0x6e: {  	_ =	shalt  }
0x6f: {  	_ =	shalt  }
0x70: {  	_ =	shalt  }
0x71: {  	_ =	shalt  }
0x72: {  	_ =	shalt  }
0x73: {  	_ =	shalt  }
0x74: {  	_ =	shalt  }
0x75: {  	_ =	shalt  }
0x76: {  	_ =	shalt  }
0x77: {  	_ =	shalt  }
0x78: {  	_ =	shalt  }
0x79: {  	_ =	shalt  }
0x7a: {  	_ =	shalt  }
0x7b: {  	_ =	shalt  }
0x7c: {  	_ =	shalt  }
0x7d: {  	_ =	shalt  }
0x7e: {  	_ =	shalt  }
0x7f: {  	_ =	shalt  }
0x80: {  	_ =	shalt  }
0x81: {  	_ =	shalt  }
0x82: {  	_ =	shalt  }
0x83: {  	_ =	shalt  }
0x84: {  	_ =	shalt  }
0x85: {  	_ =	shalt  }
0x86: {  	_ =	shalt  }
0x87: {  	_ =	shalt  }
.Lfunc_end0:
.L_simem_size_0:
called_computation_lowered:
.L_overlay_start_0:
0x88: {  	s2 =	sld [smem:$0x3FD9]  }
0x89: {  	s3 =	sld [smem:$0x3FFE];
	_ =	sdelay $0x1  }
0x8a: {  	s1 =	srdreg.scid  }
0x8b: {  	s0 =	sand.u32 $0x1, s1  }
0x8c: {  	s17 =	sshll.u32 s0, $0xA;
	s2 =	sadd.s32 s3, s2  }
0x8d: {  	s2 =	sadd.s32 s2, s17  }
0x8e: {  	[smem:$0x3FC7] =	sst s2  }
0x8f: {  	_ = 	snop  }
0x90: {  	s2 =	sld [smem:$0x3FD0];
	(tm) =	ssettm $0x1  }
0x91: {  	s18 =	sld [smem:$0x3FFB];
	_ =	sdelay $0x3  }
0x92: {  	_ =	strace s18  }
0x93: {  	s3 =	sld [smem:$0x3FFC];
	_ =	sdelay $0x3  }
0x94: {  	_ =	strace s3  }
0x95: {  	s3 =	sld [smem:$0x3FFD];
	_ =	sdelay $0x3  }
0x96: {  	_ =	strace s3  }
0x97: {  	_ =	strace $0x8FFFFFFF  }
0x98: {  	s19 =	sld [smem:$0x3FDB];
	_ =	sdelay $0x1  }
0x99: {  	s4 =	simm.s32 $_scs_section_size  }
0x9a: {  	s5 =	simm.s32 $_size__tile_overlayer_lowered;
	s6 =	simm.s32 $_tile_overlayer_lowered  }
0x9b: {  	s22 =	simm.s32 $0x1BFF;
	s21 =	sshll.u32 s6, $0x1;
	s3 =	sadd.s32 s4, s19  }
0x9c: {  	s7 =	simm.s32 $0x0;
	s20 =	sshll.u32 s5, $0x1;
	s5 =	sadd.s32 s21, s3  }
0x9d: {  	[timem:s7], [sflag:s22] =	dma.local [hbm:s5], s20  }
0x9e: {  	_ =	swait.ge [sflag:s22], s20  }
0x9f: {  	s4 =	ssub.s32 $0x0, s20;
	[sflag:s22] =	ssyncset.done $0x0  }
0xa0: {  	[sflag:s22] =	ssyncadd.s32 s4;
	_ =	sdelay $0x1  }
0xa1: {  	s23 =	simm.s32 $0x1B8B  }
0xa2: {  	_ =	swait.ge [sflag:s23], $0x1  }
0xa3: {  	[sflag:s23] =	ssyncset.done $0x0  }
0xa4: {  	s25 =	simm.s32 $0x1B8E;
	s24 =	sld [smem:$0x3FFE];
	[sflag:s23] =	ssyncadd.s32 $0xFFFFFFFF  }
0xa5: {  	s26 =	simm.s32 $execute0_lowered;
	[smem:$0x3FD2] =	sst s25  }
0xa6: {  	s5 =	sshll.u32 s26, $0x1;
	_ =	strace $0x80000046;
	[dreg:$0x1] =	wrdreg $0xFFFFFFFF  }
0xa7: {  	s28 =	simm.s32 $_size_execute0_lowered;
	s3 =	sadd.s32 s3, s5;
	[dreg:$0x0] =	wrdreg $0x0  }
0xa8: {  	s5 =	sshll.u32 s28, $0x1;
	[dreg:$0x2] =	wrdreg s3  }
0xa9: {  	[dreg:$0x3] =	wrdreg s5  }
0xaa: {  	[dreg:$0x4] =	wrdreg $0xC0  }
0xab: {  	_ =	task [dreg:s7], $0x5FFFF  }
0xac: {  	[dreg:$0x1] =	wrdreg $0xFFFFFFFF  }
0xad: {  	[dreg:$0x0] =	wrdreg $0x60  }
0xae: {  	[dreg:$0x2] =	wrdreg s2  }
0xaf: {  	[dreg:$0x3] =	wrdreg s24  }
0xb0: {  	[dreg:$0x4] =	wrdreg $0x9  }
0xb1: {  	_ =	task.clear_ibuf [dreg:s7], $0x5FFFF;
	_ =	strace $0x90000046  }
0xb2: {  	s29 =	simm.s32 $0x9;
	_ =	strace $0x80000048  }
0xb3: {  	_ =	swait.ge [sflag:s29], $0x1  }
0xb4: {  	[sflag:s29] =	ssyncadd.s32 $0xFFFFFFFF  }
0xb5: {  	_ =	strace $0x90000048  }
0xb6: {  	_ =	sfence  }
0xb7: {  	s30 =	sld [smem:$0x0];
	_ =	sdelay $0x2  }
0xb8: {  	s31 =	sshll.u32 s1, $0xD;
	s1 =	sshrl.u32 s1, $0x2  }
0xb9: {  	s3 =	sand.u32 $0x4000, s31;
	s1 =	sadd.s32 s1, s30  }
0xba: {  	s0 =	sor.u32 s3, s0;
	s1 =	sshll.u32 s1, $0x11  }
0xbb: {  	s0 =	sor.u32 s1, s0  }
0xbc: {  	s0 =	sadd.s32 $0x8F2B, s0  }
0xbd: {  	[sflag:s0] =	ssyncadd.remote.s32 $0x1  }
0xbe: {  	_ =	sfence.sel $0xFFFF  }
0xbf: {  	[dreg:$0x0] =	wrdreg $0xFFFFFFFF;
	(pc) =	sbr.abs _section_cstart, $3  }
0xc0: {  	[dreg:$0x1] =	wrdreg $0xFFFFFFFF  }
0xc1: {  	_ =	task.clear_ibuf [dreg:s7], $0x2FFFF;
	_ =	strace $0x9FFFFFFF  }
0xc2: {  	(tm) =	ssettm $0x7FFFFFFF  }
0xc3: {  	_ =	shalt  }
tec
execute0_lowered:
.L_overlay_start_1:
0x0: {  	(tag) =	ssettag $0x1  }
0x1: {  	s3 =	rddreg [dreg:$0x0];
	s1 =	srdreg.scid  }
0x2: {  	s0 =	stileid.u32;
	s4 =	rddreg [dreg:$0x1];
	s2 =	simm.s32 $0x0  }
0x3: {  	s5 =	sand.u32 $0x1, s1;
	s6 =	sshll.u32 s0, $0x1;
	s1 =	rddreg [dreg:$0x2]  }
0x4: {  	s8 =	smul.u32 $0x3000, s0;
	s6 =	sor.u32 s5, s6;
	s7 =	ssub.s32 $0x2, s5  }
0x5: {  	[smem:$0x7FF] =	sst s2;
	s6 =	smul.u32 $0x1800, s6;
	s9 =	sshrl.u32 s7, $0x1  }
0x6: {  	_ =	strace $0x80000047;
	s10 =	smul.u32 $0x1800, s5;
	s31 =	ssub.s32 s7, s9  }
0x7: {  	s7 =	simm.s32 $0x1;
	s9 =	simm.s32 $0x0;
	s6 =	sshrl.u32 s6, $0x3  }
0x8: {  	v0 =	vlaneseq.u32;
	s5 =	smax.u32 s31, $0x1;
	s4 =	sadd.s32 s6, s4;
	s3 =	sadd.s32 s3, s6  }
0x9: {  	v1 =	vadd.s32 $0x28C97A78, v0;
	s6 =	sadd.s32 s10, s8;
	s8 =	simm.s32 $0x1800;
	s4 =	sadd.s32 $0x600, s4  }
.LBB2_1:
0xa: {  	s16 =	sadd.s32 $0xFFFFFF80, s6  }
0xb: {  	s14 =	sadd.s32 $0x77056449, s16;
	s12 =	sadd.s32 $0x770563D9, s16  }
0xc: {  	s11 =	sadd.s32 $0x770563E9, s16;
	s10 =	sadd.s32 $0x77056409, s16;
	v2 =	vadd.s32 s14, v0  }
0xd: {  	s31 =	sadd.s32 $0x77056419, s16;
	s15 =	sadd.s32 $0x77056429, s16;
	v3 =	vadd.s32 s12, v0;
	v5 =	vadd.s32 s11, v0;
	v6 =	vadd.s32 s14, v1  }
0xe: {  	s13 =	sadd.s32 $0x770563F9, s16;
	v7 =	vadd.s32 s10, v0;
	v8 =	vadd.s32 s31, v0;
	v11 =	vadd.s32 s15, v0  }
0xf: {  	s16 =	sadd.s32 $0x77056439, s16;
	v56 =	vadd.s32 s11, v1;
	v59 =	vadd.s32 s13, v1;
	v60 =	vadd.s32 s10, v1  }
0x10: {  	v61 =	vadd.s32 s31, v1;
	v62 =	vadd.s32 s15, v1;
	v63 =	vadd.s32 s16, v1  }
0x11: {  	v4 =	vshrl.u32 v2, $0x13;
	v2 =	vshll.u32 v2, $0xD;
	v14 =	vshrl.u32 v5, $0x13  }
0x12: {  	v5 =	vshll.u32 v5, $0xD;
	v16 =	vshrl.u32 v7, $0x13;
	v7 =	vshll.u32 v7, $0xD  }
0x13: {  	v52 =	vshrl.u32 v8, $0x13;
	v8 =	vshll.u32 v8, $0xD;
	v53 =	vshrl.u32 v11, $0x13  }
0x14: {  	v11 =	vshll.u32 v11, $0xD;
	v2 =	vor.u32 v4, v2;
	v4 =	vadd.s32 s13, v0  }
0x15: {  	v5 =	vor.u32 v14, v5;
	v7 =	vor.u32 v16, v7;
	v8 =	vor.u32 v52, v8  }
0x16: {  	v11 =	vor.u32 v53, v11;
	v2 =	vxor.u32 v6, v2;
	v50 =	vshrl.u32 v4, $0x13  }
0x17: {  	v4 =	vshll.u32 v4, $0xD;
	v5 =	vxor.u32 v56, v5;
	v7 =	vxor.u32 v60, v7  }
0x18: {  	v8 =	vxor.u32 v61, v8;
	v11 =	vxor.u32 v62, v11;
	v9 =	vshrl.u32 v2, $0x11  }
0x19: {  	v10 =	vshll.u32 v2, $0xF;
	v2 =	vadd.s32 v6, v2;
	v4 =	vor.u32 v50, v4  }
0x1a: {  	v38 =	vshrl.u32 v5, $0x11;
	v39 =	vshll.u32 v5, $0xF;
	v40 =	vshrl.u32 v7, $0x11  }
0x1b: {  	v41 =	vshll.u32 v7, $0xF;
	v26 =	vshrl.u32 v8, $0x11;
	v27 =	vshll.u32 v8, $0xF  }
0x1c: {  	v29 =	vshrl.u32 v11, $0x11;
	v42 =	vshll.u32 v11, $0xF;
	v5 =	vadd.s32 v56, v5  }
0x1d: {  	v7 =	vadd.s32 v60, v7;
	v8 =	vadd.s32 v61, v8;
	v11 =	vadd.s32 v62, v11  }
0x1e: {  	v6 =	vor.u32 v9, v10;
	v9 =	vshrl.u32 v3, $0x13;
	v10 =	vadd.s32 s16, v0  }
0x1f: {  	v3 =	vshll.u32 v3, $0xD;
	v4 =	vxor.u32 v59, v4;
	v44 =	vor.u32 v40, v41  }
0x20: {  	v47 =	vor.u32 v26, v27;
	v48 =	vor.u32 v29, v42;
	v6 =	vxor.u32 v2, v6  }
0x21: {  	v54 =	vshrl.u32 v10, $0x13;
	v12 =	vshrl.u32 v6, $0x6;
	v13 =	vshll.u32 v6, $0x1A  }
0x22: {  	v10 =	vshll.u32 v10, $0xD;
	v2 =	vadd.s32 v2, v6;
	v6 =	vor.u32 v12, v13  }
0x23: {  	v3 =	vor.u32 v9, v3;
	v22 =	vshrl.u32 v4, $0x11;
	v6 =	vxor.u32 v2, v6  }
0x24: {  	v25 =	vshll.u32 v4, $0xF;
	v51 =	vshrl.u32 v6, $0x1A;
	v15 =	vshll.u32 v6, $0x6  }
0x25: {  	v4 =	vadd.s32 v59, v4;
	v2 =	vadd.s32 v2, v6;
	v6 =	vor.u32 v51, v15  }
0x26: {  	v56 =	vxor.u32 v8, v47;
	v10 =	vor.u32 v54, v10;
	v6 =	vxor.u32 v2, v6  }
0x27: {  	v43 =	vor.u32 v22, v25;
	v40 =	vshll.u32 v56, $0x1A;
	v6 =	vadd.s32 $0x45E002FC, v6  }
0x28: {  	v2 =	vadd.s32 v6, v2;
	v17 =	vshrl.u32 v6, $0xF;
	v6 =	vshll.u32 v6, $0x11  }
0x29: {  	v8 =	vadd.s32 v8, v56;
	v2 =	vadd.s32 $0x76F86359, v2;
	v6 =	vor.u32 v17, v6  }
0x2a: {  	v10 =	vxor.u32 v63, v10;
	v53 =	vxor.u32 v4, v43;
	v6 =	vxor.u32 v2, v6  }
0x2b: {  	v30 =	vshrl.u32 v10, $0x11;
	v9 =	vshrl.u32 v6, $0x3;
	v18 =	vshll.u32 v6, $0x1D  }
0x2c: {  	v31 =	vshll.u32 v10, $0xF;
	v2 =	vadd.s32 v2, v6;
	v6 =	vor.u32 v9, v18  }
0x2d: {  	v10 =	vadd.s32 v63, v10;
	v4 =	vadd.s32 v4, v53;
	v6 =	vxor.u32 v2, v6  }
0x2e: {  	v49 =	vor.u32 v30, v31;
	v9 =	vshrl.u32 v6, $0x10;
	v55 =	vshll.u32 v6, $0x10  }
0x2f: {  	v2 =	vadd.s32 v2, v6;
	v6 =	vor.u32 v9, v55;
	v9 =	vadd.s32 s12, v1  }
0x30: {  	v55 =	vxor.u32 v7, v44;
	v6 =	vxor.u32 v2, v6;
	v3 =	vxor.u32 v9, v3  }
0x31: {  	v7 =	vadd.s32 v7, v55;
	v57 =	vshrl.u32 v6, $0x8;
	v58 =	vshll.u32 v6, $0x18  }
0x32: {  	v2 =	vadd.s32 v2, v6;
	v36 =	vshrl.u32 v3, $0x11;
	v21 =	vshll.u32 v3, $0xF  }
0x33: {  	v3 =	vadd.s32 v9, v3;
	v6 =	vor.u32 v57, v58;
	v18 =	vor.u32 v36, v21  }
0x34: {  	v57 =	vxor.u32 v11, v48;
	v58 =	vxor.u32 v10, v49;
	v36 =	vshll.u32 v53, $0x1A  }
0x35: {  	v6 =	vxor.u32 v2, v6;
	v51 =	vxor.u32 v3, v18;
	v41 =	vshrl.u32 v58, $0x6  }
0x36: {  	v42 =	vshll.u32 v58, $0x1A;
	v11 =	vadd.s32 v11, v57;
	v6 =	vadd.s32 $0x28C97A7A, v6  }
0x37: {  	v2 =	vadd.s32 v6, v2;
	v34 =	vshrl.u32 v6, $0x13;
	v6 =	vshll.u32 v6, $0xD  }
0x38: {  	v10 =	vadd.s32 v10, v58;
	v2 =	vadd.s32 $0x45E002FB, v2;
	v6 =	vor.u32 v34, v6  }
0x39: {  	v60 =	vshrl.u32 v51, $0x6;
	v61 =	vshll.u32 v51, $0x1A;
	v6 =	vxor.u32 v2, v6  }
0x3a: {  	v3 =	vadd.s32 v3, v51;
	v35 =	vshrl.u32 v6, $0x11;
	v19 =	vshll.u32 v6, $0xF  }
0x3b: {  	v2 =	vadd.s32 v2, v6;
	v6 =	vor.u32 v35, v19;
	v19 =	vor.u32 v38, v39  }
0x3c: {  	v35 =	vshrl.u32 v53, $0x6;
	v38 =	vshll.u32 v55, $0x1A;
	v39 =	vshrl.u32 v56, $0x6  }
0x3d: {  	v6 =	vxor.u32 v2, v6;
	v52 =	vxor.u32 v5, v19;
	v19 =	vor.u32 v60, v61  }
0x3e: {  	v44 =	vor.u32 v35, v36;
	v37 =	vshrl.u32 v6, $0x6;
	v20 =	vshll.u32 v6, $0x1A  }
0x3f: {  	v2 =	vadd.s32 v2, v6;
	v62 =	vshrl.u32 v52, $0x6;
	v63 =	vshll.u32 v52, $0x1A  }
0x40: {  	v5 =	vadd.s32 v5, v52;
	v12 =	vxor.u32 v3, v19;
	v6 =	vor.u32 v37, v20  }
0x41: {  	v14 =	vxor.u32 v4, v44;
	v37 =	vshrl.u32 v55, $0x6;
	v6 =	vxor.u32 v2, v6  }
0x42: {  	v43 =	vor.u32 v62, v63;
	v23 =	vshrl.u32 v6, $0x1A;
	v24 =	vshll.u32 v6, $0x6  }
0x43: {  	v49 =	vshrl.u32 v12, $0x1A;
	v2 =	vadd.s32 v2, v6;
	v6 =	vor.u32 v23, v24  }
0x44: {  	v21 =	vshrl.u32 v14, $0x1A;
	v52 =	vshll.u32 v14, $0x6;
	v6 =	vxor.u32 v2, v6  }
0x45: {  	v3 =	vadd.s32 v3, v12;
	v4 =	vadd.s32 v4, v14;
	v6 =	vadd.s32 $0x76F8635C, v6  }
0x46: {  	v2 =	vadd.s32 v6, v2;
	v28 =	vshrl.u32 v6, $0xF;
	v6 =	vshll.u32 v6, $0x11  }
0x47: {  	v13 =	vxor.u32 v5, v43;
	v2 =	vadd.s32 $0x28C97A78, v2;
	v6 =	vor.u32 v28, v6  }
0x48: {  	v51 =	vshrl.u32 v13, $0x1A;
	v20 =	vshll.u32 v13, $0x6;
	v6 =	vxor.u32 v2, v6  }
0x49: {  	v5 =	vadd.s32 v5, v13;
	v32 =	vshrl.u32 v6, $0x3;
	v33 =	vshll.u32 v6, $0x1D  }
0x4a: {  	v19 =	vor.u32 v51, v20;
	v2 =	vadd.s32 v2, v6;
	v6 =	vor.u32 v32, v33  }
0x4b: {  	v61 =	vor.u32 v21, v52;
	v25 =	vxor.u32 v5, v19;
	v6 =	vxor.u32 v2, v6  }
0x4c: {  	v45 =	vshrl.u32 v6, $0x10;
	v46 =	vshll.u32 v6, $0x10;
	v2 =	vadd.s32 v2, v6  }
0x4d: {  	v6 =	vor.u32 v45, v46;
	v45 =	vor.u32 v37, v38;
	v46 =	vor.u32 v39, v40  }
0x4e: {  	v6 =	vxor.u32 v2, v6;
	v47 =	vxor.u32 v7, v45;
	v48 =	vxor.u32 v8, v46  }
0x4f: {  	v9 =	vshrl.u32 v6, $0x8;
	v50 =	vshll.u32 v6, $0x18;
	v2 =	vadd.s32 v2, v6  }
0x50: {  	v53 =	vshrl.u32 v47, $0x1A;
	v55 =	vshrl.u32 v48, $0x1A;
	v56 =	vshll.u32 v48, $0x6  }
0x51: {  	v7 =	vadd.s32 v7, v47;
	v8 =	vadd.s32 v8, v48;
	v6 =	vor.u32 v9, v50  }
0x52: {  	v50 =	vshll.u32 v12, $0x6;
	v63 =	vor.u32 v55, v56;
	v12 =	vadd.s32 $0x45E002FC, v25  }
0x53: {  	v6 =	vxor.u32 v2, v6;
	v17 =	vor.u32 v49, v50;
	v27 =	vxor.u32 v8, v63  }
0x54: {  	v5 =	vadd.s32 v12, v5;
	v31 =	vshrl.u32 v12, $0xF;
	v12 =	vshll.u32 v12, $0x11  }
0x55: {  	v6 =	vadd.s32 $0x45E002FF, v6;
	v14 =	vadd.s32 $0x45E002FC, v27;
	v5 =	vadd.s32 $0x76F86359, v5  }
0x56: {  	v2 =	vadd.s32 v6, v2;
	v9 =	vshrl.u32 v6, $0x13;
	v6 =	vshll.u32 v6, $0xD  }
0x57: {  	v12 =	vor.u32 v31, v12;
	v2 =	vadd.s32 $0x76F86359, v2;
	v6 =	vor.u32 v9, v6  }
0x58: {  	v8 =	vadd.s32 v14, v8;
	v12 =	vxor.u32 v5, v12;
	v6 =	vxor.u32 v2, v6  }
0x59: {  	v8 =	vadd.s32 $0x76F86359, v8;
	v9 =	vshrl.u32 v6, $0x11;
	v54 =	vshll.u32 v6, $0xF  }
0x5a: {  	v39 =	vshrl.u32 v12, $0x3;
	v2 =	vadd.s32 v2, v6;
	v6 =	vor.u32 v9, v54  }
0x5b: {  	v40 =	vshll.u32 v12, $0x1D;
	v54 =	vshll.u32 v47, $0x6;
	v6 =	vxor.u32 v2, v6  }
0x5c: {  	[tilespmem:s2], [sflag:$0x1] =	stream.linear.gather [hbm4b:s3+s2], $0x1800, $0x38;
	v62 =	vor.u32 v53, v54;
	v9 =	vshrl.u32 v6, $0x6;
	v59 =	vshll.u32 v6, $0x1A;
	[tilespmem:$0x3000] =	vst v63  }
0x5d: {  	_ =	swait.ge [sflag:s7], $0x1800;
	v2 =	vadd.s32 v2, v6;
	v26 =	vxor.u32 v7, v62;
	v6 =	vor.u32 v9, v59  }
0x5e: {  	[sflag:s7] =	ssyncset.done $0x0;
	v5 =	vadd.s32 v5, v12;
	v13 =	vadd.s32 $0x45E002FC, v26;
	v6 =	vxor.u32 v2, v6  }
0x5f: {  	s10 =	simm.s32 $0x40;
	[sflag:s7] =	ssyncadd.s32 $0xFFFFE800;
	v19 =	vor.u32 v39, v40;
	v7 =	vadd.s32 v13, v7;
	v33 =	vshrl.u32 v6, $0x1A  }
0x60: {  	v9 =	vld [tilespmem:s10+$0x30];
	v34 =	vshll.u32 v6, $0x6;
	v2 =	vadd.s32 v2, v6;
	v7 =	vadd.s32 $0x76F86359, v7  }
0x61: {  	v6 =	vor.u32 v33, v34;
	v33 =	vshrl.u32 v13, $0xF;
	v13 =	vshll.u32 v13, $0x11  }
0x62: {  	v34 =	vshrl.u32 v14, $0xF;
	v14 =	vshll.u32 v14, $0x11;
	v6 =	vxor.u32 v2, v6  }
0x63: {  	v2 =	vadd.s32 $0x45E002FB, v2;
	v13 =	vor.u32 v33, v13;
	v14 =	vor.u32 v34, v14  }
0x64: {  	v6 =	vadd.s32 $0x28C97A7D, v6;
	v13 =	vxor.u32 v7, v13;
	v14 =	vxor.u32 v8, v14  }
0x65: {  	v2 =	vxor.u32 v2, v6;
	v6 =	vand.u32 $0xFFFFFFFD, v9;
	v43 =	vshrl.u32 v13, $0x3  }
0x66: {  	v44 =	vshll.u32 v13, $0x1D;
	v45 =	vshrl.u32 v14, $0x3;
	v46 =	vshll.u32 v14, $0x1D  }
0x67: {  	v7 =	vadd.s32 v7, v13;
	v8 =	vadd.s32 v8, v14;
	vm0 =	vlt.u32 v2, $0x33333400  }
0x68: {  	vm1 =	vne.s32 v6, $0x0;
	v2 =	vshrl.u32 v57, $0x6;
	v6 =	vshll.u32 v57, $0x1A  }
0x69: {  	v52 =	vor.u32 v43, v44;
	v53 =	vor.u32 v45, v46;
	vm0 =	vmand vm0, vm1  }
0x6a: {  	v2 =	vor.u32 v2, v6;
	v6 =	vor.u32 v41, v42;
	v13 =	vxor.u32 v7, v52  }
0x6b: {  	v14 =	vxor.u32 v8, v53;
	v9 =	vsel vm0, $0x0, v9;
	v2 =	vxor.u32 v11, v2  }
0x6c: {  	v6 =	vxor.u32 v10, v6;
	v63 =	vshrl.u32 v13, $0x10;
	v33 =	vshrl.u32 v14, $0x10  }
0x6d: {  	v34 =	vshll.u32 v14, $0x10;
	v7 =	vadd.s32 v7, v13;
	v8 =	vadd.s32 v8, v14  }
0x6e: {  	v57 =	vshrl.u32 v2, $0x1A;
	v58 =	vshll.u32 v2, $0x6;
	v59 =	vshrl.u32 v6, $0x1A  }
0x6f: {  	v60 =	vshll.u32 v6, $0x6;
	v2 =	vadd.s32 v11, v2;
	v11 =	vxor.u32 v3, v17  }
0x70: {  	v6 =	vadd.s32 v10, v6;
	v10 =	vxor.u32 v4, v61;
	v24 =	vor.u32 v57, v58  }
0x71: {  	v18 =	vor.u32 v59, v60;
	v11 =	vadd.s32 $0x45E002FC, v11;
	v10 =	vadd.s32 $0x45E002FC, v10  }
0x72: {  	v28 =	vxor.u32 v2, v24;
	v29 =	vxor.u32 v6, v18;
	v3 =	vadd.s32 v11, v3  }
0x73: {  	v30 =	vshrl.u32 v11, $0xF;
	v11 =	vshll.u32 v11, $0x11;
	v4 =	vadd.s32 v10, v4  }
0x74: {  	v32 =	vshrl.u32 v10, $0xF;
	v10 =	vshll.u32 v10, $0x11;
	v15 =	vadd.s32 $0x45E002FC, v28  }
0x75: {  	v16 =	vadd.s32 $0x45E002FC, v29;
	v3 =	vadd.s32 $0x76F86359, v3;
	v11 =	vor.u32 v30, v11  }
0x76: {  	v4 =	vadd.s32 $0x76F86359, v4;
	v10 =	vor.u32 v32, v10;
	v32 =	vshll.u32 v13, $0x10  }
0x77: {  	v2 =	vadd.s32 v15, v2;
	v35 =	vshrl.u32 v15, $0xF;
	v15 =	vshll.u32 v15, $0x11  }
0x78: {  	v6 =	vadd.s32 v16, v6;
	v36 =	vshrl.u32 v16, $0xF;
	v16 =	vshll.u32 v16, $0x11  }
0x79: {  	v11 =	vxor.u32 v3, v11;
	v10 =	vxor.u32 v4, v10;
	v2 =	vadd.s32 $0x76F86359, v2  }
0x7a: {  	v15 =	vor.u32 v35, v15;
	v6 =	vadd.s32 $0x76F86359, v6;
	v16 =	vor.u32 v36, v16  }
0x7b: {  	v37 =	vshrl.u32 v11, $0x3;
	v38 =	vshll.u32 v11, $0x1D;
	v41 =	vshrl.u32 v10, $0x3  }
0x7c: {  	v42 =	vshll.u32 v10, $0x1D;
	v3 =	vadd.s32 v3, v11;
	v4 =	vadd.s32 v4, v10  }
0x7d: {  	v11 =	vxor.u32 v5, v19;
	v15 =	vxor.u32 v2, v15;
	v16 =	vxor.u32 v6, v16  }
0x7e: {  	v17 =	vor.u32 v37, v38;
	v51 =	vor.u32 v41, v42;
	v19 =	vshrl.u32 v11, $0x10  }
0x7f: {  	v60 =	vshll.u32 v11, $0x10;
	v41 =	vor.u32 v63, v32;
	v42 =	vor.u32 v33, v34  }
0x80: {  	v5 =	vadd.s32 v5, v11;
	v47 =	vshrl.u32 v15, $0x3;
	v48 =	vshll.u32 v15, $0x1D  }
0x81: {  	v49 =	vshrl.u32 v16, $0x3;
	v50 =	vshll.u32 v16, $0x1D;
	v2 =	vadd.s32 v2, v15  }
0x82: {  	v10 =	vxor.u32 v3, v17;
	v6 =	vadd.s32 v6, v16;
	v55 =	vxor.u32 v4, v51  }
0x83: {  	v38 =	vor.u32 v19, v60;
	v45 =	vxor.u32 v7, v41;
	v46 =	vxor.u32 v8, v42  }
0x84: {  	v54 =	vor.u32 v47, v48;
	v18 =	vor.u32 v49, v50;
	v56 =	vshrl.u32 v10, $0x10  }
0x85: {  	v59 =	vshll.u32 v10, $0x10;
	v61 =	vshrl.u32 v55, $0x10;
	v62 =	vshll.u32 v55, $0x10  }
0x86: {  	v3 =	vadd.s32 v3, v10;
	v4 =	vadd.s32 v4, v55;
	v43 =	vxor.u32 v5, v38  }
0x87: {  	v55 =	vshll.u32 v45, $0x18;
	v7 =	vadd.s32 v7, v45;
	v8 =	vadd.s32 v8, v46  }
0x88: {  	v57 =	vxor.u32 v2, v54;
	v58 =	vxor.u32 v6, v18;
	v15 =	vor.u32 v56, v59  }
0x89: {  	v40 =	vor.u32 v61, v62;
	v50 =	vshrl.u32 v43, $0x8;
	v51 =	vshll.u32 v43, $0x18  }
0x8a: {  	v54 =	vshrl.u32 v45, $0x8;
	v56 =	vshrl.u32 v46, $0x8;
	v5 =	vadd.s32 v5, v43  }
0x8b: {  	v35 =	vshrl.u32 v57, $0x10;
	v36 =	vshll.u32 v57, $0x10;
	v37 =	vshrl.u32 v58, $0x10  }
0x8c: {  	v39 =	vshll.u32 v58, $0x10;
	v2 =	vadd.s32 v2, v57;
	v6 =	vadd.s32 v6, v58  }
0x8d: {  	v11 =	vxor.u32 v3, v15;
	v44 =	vxor.u32 v4, v40;
	v57 =	vshll.u32 v46, $0x18  }
0x8e: {  	v62 =	vor.u32 v50, v51;
	v24 =	vor.u32 v54, v55;
	v10 =	vor.u32 v35, v36  }
0x8f: {  	v19 =	vor.u32 v37, v39;
	v47 =	vshrl.u32 v11, $0x8;
	v48 =	vshll.u32 v11, $0x18  }
0x90: {  	v52 =	vshrl.u32 v44, $0x8;
	v53 =	vshll.u32 v44, $0x18;
	v31 =	vor.u32 v56, v57  }
0x91: {  	v3 =	vadd.s32 v3, v11;
	v4 =	vadd.s32 v4, v44;
	v14 =	vxor.u32 v7, v24  }
0x92: {  	v10 =	vxor.u32 v2, v10;
	v49 =	vxor.u32 v6, v19;
	v16 =	vor.u32 v47, v48  }
0x93: {  	v63 =	vor.u32 v52, v53;
	v15 =	vxor.u32 v8, v31;
	v14 =	vadd.s32 $0x28C97A7A, v14  }
0x94: {  	v58 =	vshrl.u32 v10, $0x8;
	v59 =	vshll.u32 v10, $0x18;
	v60 =	vshrl.u32 v49, $0x8  }
0x95: {  	v61 =	vshll.u32 v49, $0x18;
	v33 =	vxor.u32 v3, v16;
	v2 =	vadd.s32 v2, v10  }
0x96: {  	v6 =	vadd.s32 v6, v49;
	v10 =	vxor.u32 v5, v62;
	v13 =	vxor.u32 v4, v63  }
0x97: {  	v15 =	vadd.s32 $0x28C97A7A, v15;
	v7 =	vadd.s32 v14, v7;
	v38 =	vshrl.u32 v14, $0x13  }
0x98: {  	v14 =	vshll.u32 v14, $0xD;
	v32 =	vor.u32 v58, v59;
	v11 =	vor.u32 v60, v61  }
0x99: {  	v12 =	vadd.s32 $0x28C97A7A, v33;
	v10 =	vadd.s32 $0x28C97A7A, v10;
	v13 =	vadd.s32 $0x28C97A7A, v13  }
0x9a: {  	v8 =	vadd.s32 v15, v8;
	v39 =	vshrl.u32 v15, $0x13;
	v15 =	vshll.u32 v15, $0xD  }
0x9b: {  	v7 =	vadd.s32 $0x45E002FB, v7;
	v14 =	vor.u32 v38, v14;
	v34 =	vxor.u32 v2, v32  }
0x9c: {  	v11 =	vxor.u32 v6, v11;
	v3 =	vadd.s32 v12, v3;
	v35 =	vshrl.u32 v12, $0x13  }
0x9d: {  	v12 =	vshll.u32 v12, $0xD;
	v5 =	vadd.s32 v10, v5;
	v36 =	vshrl.u32 v10, $0x13  }
0x9e: {  	v10 =	vshll.u32 v10, $0xD;
	v4 =	vadd.s32 v13, v4;
	v37 =	vshrl.u32 v13, $0x13  }
0x9f: {  	v13 =	vshll.u32 v13, $0xD;
	v8 =	vadd.s32 $0x45E002FB, v8;
	v15 =	vor.u32 v39, v15  }
0xa0: {  	v14 =	vxor.u32 v7, v14;
	v16 =	vadd.s32 $0x28C97A7A, v34;
	v11 =	vadd.s32 $0x28C97A7A, v11  }
0xa1: {  	v3 =	vadd.s32 $0x45E002FB, v3;
	v12 =	vor.u32 v35, v12;
	v5 =	vadd.s32 $0x45E002FB, v5  }
0xa2: {  	v10 =	vor.u32 v36, v10;
	v4 =	vadd.s32 $0x45E002FB, v4;
	v13 =	vor.u32 v37, v13  }
0xa3: {  	v15 =	vxor.u32 v8, v15;
	v48 =	vshrl.u32 v14, $0x11;
	v49 =	vshll.u32 v14, $0xF  }
0xa4: {  	v7 =	vadd.s32 v7, v14;
	v2 =	vadd.s32 v16, v2;
	v40 =	vshrl.u32 v16, $0x13  }
0xa5: {  	v16 =	vshll.u32 v16, $0xD;
	v6 =	vadd.s32 v11, v6;
	v41 =	vshrl.u32 v11, $0x13  }
0xa6: {  	v11 =	vshll.u32 v11, $0xD;
	v12 =	vxor.u32 v3, v12;
	v10 =	vxor.u32 v5, v10  }
0xa7: {  	v13 =	vxor.u32 v4, v13;
	v50 =	vshrl.u32 v15, $0x11;
	v51 =	vshll.u32 v15, $0xF  }
0xa8: {  	v58 =	vor.u32 v48, v49;
	v8 =	vadd.s32 v8, v15;
	v2 =	vadd.s32 $0x45E002FB, v2  }
0xa9: {  	v16 =	vor.u32 v40, v16;
	v6 =	vadd.s32 $0x45E002FB, v6;
	v11 =	vor.u32 v41, v11  }
0xaa: {  	v42 =	vshrl.u32 v12, $0x11;
	v43 =	vshll.u32 v12, $0xF;
	v44 =	vshrl.u32 v10, $0x11  }
0xab: {  	v45 =	vshll.u32 v10, $0xF;
	v46 =	vshrl.u32 v13, $0x11;
	v47 =	vshll.u32 v13, $0xF  }
0xac: {  	v59 =	vor.u32 v50, v51;
	v3 =	vadd.s32 v3, v12;
	v5 =	vadd.s32 v5, v10  }
0xad: {  	v4 =	vadd.s32 v4, v13;
	v14 =	vxor.u32 v7, v58;
	v16 =	vxor.u32 v2, v16  }
0xae: {  	v11 =	vxor.u32 v6, v11;
	v17 =	vor.u32 v42, v43;
	v56 =	vor.u32 v44, v45  }
0xaf: {  	v57 =	vor.u32 v46, v47;
	v15 =	vxor.u32 v8, v59;
	v34 =	vshrl.u32 v14, $0x6  }
0xb0: {  	v35 =	vshll.u32 v14, $0x1A;
	v7 =	vadd.s32 v7, v14;
	v52 =	vshrl.u32 v16, $0x11  }
0xb1: {  	v53 =	vshll.u32 v16, $0xF;
	v54 =	vshrl.u32 v11, $0x11;
	v55 =	vshll.u32 v11, $0xF  }
0xb2: {  	v12 =	vxor.u32 v3, v17;
	v2 =	vadd.s32 v2, v16;
	v6 =	vadd.s32 v6, v11  }
0xb3: {  	v11 =	vxor.u32 v5, v56;
	v13 =	vxor.u32 v4, v57;
	v36 =	vshrl.u32 v15, $0x6  }
0xb4: {  	v37 =	vshll.u32 v15, $0x1A;
	v43 =	vor.u32 v34, v35;
	v8 =	vadd.s32 v8, v15  }
0xb5: {  	v60 =	vor.u32 v52, v53;
	v10 =	vor.u32 v54, v55;
	v17 =	vshrl.u32 v12, $0x6  }
0xb6: {  	v61 =	vshll.u32 v12, $0x1A;
	v62 =	vshrl.u32 v11, $0x6;
	v63 =	vshll.u32 v11, $0x1A  }
0xb7: {  	v32 =	vshrl.u32 v13, $0x6;
	v33 =	vshll.u32 v13, $0x1A;
	v44 =	vor.u32 v36, v37  }
0xb8: {  	v3 =	vadd.s32 v3, v12;
	v5 =	vadd.s32 v5, v11;
	v4 =	vadd.s32 v4, v13  }
0xb9: {  	v47 =	vxor.u32 v7, v43;
	v16 =	vxor.u32 v2, v60;
	v10 =	vxor.u32 v6, v10  }
0xba: {  	v17 =	vor.u32 v17, v61;
	v19 =	vor.u32 v62, v63;
	v42 =	vor.u32 v32, v33  }
0xbb: {  	v48 =	vxor.u32 v8, v44;
	v55 =	vshrl.u32 v47, $0x1A;
	v56 =	vshll.u32 v47, $0x6  }
0xbc: {  	v7 =	vadd.s32 v7, v47;
	v38 =	vshrl.u32 v16, $0x6;
	v39 =	vshll.u32 v16, $0x1A  }
0xbd: {  	v40 =	vshrl.u32 v10, $0x6;
	v41 =	vshll.u32 v10, $0x1A;
	v2 =	vadd.s32 v2, v16  }
0xbe: {  	v11 =	vxor.u32 v3, v17;
	v46 =	vxor.u32 v5, v19;
	v6 =	vadd.s32 v6, v10  }
0xbf: {  	v10 =	vxor.u32 v4, v42;
	v57 =	vshrl.u32 v48, $0x1A;
	v58 =	vshll.u32 v48, $0x6  }
0xc0: {  	v31 =	vor.u32 v55, v56;
	v8 =	vadd.s32 v8, v48;
	v45 =	vor.u32 v38, v39  }
0xc1: {  	v18 =	vor.u32 v40, v41;
	v49 =	vshrl.u32 v11, $0x1A;
	v51 =	vshll.u32 v11, $0x6  }
0xc2: {  	v19 =	vshrl.u32 v46, $0x1A;
	v52 =	vshll.u32 v46, $0x6;
	v53 =	vshrl.u32 v10, $0x1A  }
0xc3: {  	v54 =	vshll.u32 v10, $0x6;
	v32 =	vor.u32 v57, v58;
	v3 =	vadd.s32 v3, v11  }
0xc4: {  	v5 =	vadd.s32 v5, v46;
	v4 =	vadd.s32 v4, v10;
	v34 =	vxor.u32 v7, v31  }
0xc5: {  	v16 =	vxor.u32 v2, v45;
	v50 =	vxor.u32 v6, v18;
	v15 =	vor.u32 v49, v51  }
0xc6: {  	v62 =	vor.u32 v19, v52;
	v30 =	vor.u32 v53, v54;
	v35 =	vxor.u32 v8, v32  }
0xc7: {  	v14 =	vadd.s32 $0x76F8635C, v34;
	v59 =	vshrl.u32 v16, $0x1A;
	v60 =	vshll.u32 v16, $0x6  }
0xc8: {  	v61 =	vshrl.u32 v50, $0x1A;
	v63 =	vshll.u32 v50, $0x6;
	v2 =	vadd.s32 v2, v16  }
0xc9: {  	v6 =	vadd.s32 v6, v50;
	v10 =	vxor.u32 v3, v15;
	v12 =	vxor.u32 v5, v62  }
0xca: {  	v33 =	vxor.u32 v4, v30;
	v15 =	vadd.s32 $0x76F8635C, v35;
	v7 =	vadd.s32 v14, v7  }
0xcb: {  	v40 =	vshrl.u32 v14, $0xF;
	v14 =	vshll.u32 v14, $0x11;
	v11 =	vor.u32 v59, v60  }
0xcc: {  	v19 =	vor.u32 v61, v63;
	v10 =	vadd.s32 $0x76F8635C, v10;
	v12 =	vadd.s32 $0x76F8635C, v12  }
0xcd: {  	v13 =	vadd.s32 $0x76F8635C, v33;
	v8 =	vadd.s32 v15, v8;
	v41 =	vshrl.u32 v15, $0xF  }
0xce: {  	v15 =	vshll.u32 v15, $0x11;
	v7 =	vadd.s32 $0x28C97A78, v7;
	v14 =	vor.u32 v40, v14  }
0xcf: {  	v11 =	vxor.u32 v2, v11;
	v36 =	vxor.u32 v6, v19;
	v3 =	vadd.s32 v10, v3  }
0xd0: {  	v37 =	vshrl.u32 v10, $0xF;
	v10 =	vshll.u32 v10, $0x11;
	v5 =	vadd.s32 v12, v5  }
0xd1: {  	v38 =	vshrl.u32 v12, $0xF;
	v12 =	vshll.u32 v12, $0x11;
	v4 =	vadd.s32 v13, v4  }
0xd2: {  	v39 =	vshrl.u32 v13, $0xF;
	v13 =	vshll.u32 v13, $0x11;
	v8 =	vadd.s32 $0x28C97A78, v8  }
0xd3: {  	v15 =	vor.u32 v41, v15;
	v14 =	vxor.u32 v7, v14;
	v11 =	vadd.s32 $0x76F8635C, v11  }
0xd4: {  	v16 =	vadd.s32 $0x76F8635C, v36;
	v3 =	vadd.s32 $0x28C97A78, v3;
	v10 =	vor.u32 v37, v10  }
0xd5: {  	v5 =	vadd.s32 $0x28C97A78, v5;
	v12 =	vor.u32 v38, v12;
	v4 =	vadd.s32 $0x28C97A78, v4  }
0xd6: {  	v13 =	vor.u32 v39, v13;
	v15 =	vxor.u32 v8, v15;
	v50 =	vshrl.u32 v14, $0x3  }
0xd7: {  	v51 =	vshll.u32 v14, $0x1D;
	v7 =	vadd.s32 v7, v14;
	v2 =	vadd.s32 v11, v2  }
0xd8: {  	v42 =	vshrl.u32 v11, $0xF;
	v11 =	vshll.u32 v11, $0x11;
	v6 =	vadd.s32 v16, v6  }
0xd9: {  	v43 =	vshrl.u32 v16, $0xF;
	v16 =	vshll.u32 v16, $0x11;
	v10 =	vxor.u32 v3, v10  }
0xda: {  	v12 =	vxor.u32 v5, v12;
	v13 =	vxor.u32 v4, v13;
	v52 =	vshrl.u32 v15, $0x3  }
0xdb: {  	v53 =	vshll.u32 v15, $0x1D;
	v60 =	vor.u32 v50, v51;
	v8 =	vadd.s32 v8, v15  }
0xdc: {  	v2 =	vadd.s32 $0x28C97A78, v2;
	v11 =	vor.u32 v42, v11;
	v6 =	vadd.s32 $0x28C97A78, v6  }
0xdd: {  	v16 =	vor.u32 v43, v16;
	v44 =	vshrl.u32 v10, $0x3;
	v45 =	vshll.u32 v10, $0x1D  }
0xde: {  	v46 =	vshrl.u32 v12, $0x3;
	v47 =	vshll.u32 v12, $0x1D;
	v48 =	vshrl.u32 v13, $0x3  }
0xdf: {  	v49 =	vshll.u32 v13, $0x1D;
	v61 =	vor.u32 v52, v53;
	v3 =	vadd.s32 v3, v10  }
0xe0: {  	v5 =	vadd.s32 v5, v12;
	v4 =	vadd.s32 v4, v13;
	v14 =	vxor.u32 v7, v60  }
0xe1: {  	v11 =	vxor.u32 v2, v11;
	v16 =	vxor.u32 v6, v16;
	v17 =	vor.u32 v44, v45  }
0xe2: {  	v57 =	vor.u32 v46, v47;
	v59 =	vor.u32 v48, v49;
	v15 =	vxor.u32 v8, v61  }
0xe3: {  	v37 =	vshrl.u32 v14, $0x10;
	v38 =	vshll.u32 v14, $0x10;
	v7 =	vadd.s32 v7, v14  }
0xe4: {  	v54 =	vshrl.u32 v11, $0x3;
	v55 =	vshll.u32 v11, $0x1D;
	v56 =	vshrl.u32 v16, $0x3  }
0xe5: {  	v58 =	vshll.u32 v16, $0x1D;
	v2 =	vadd.s32 v2, v11;
	v6 =	vadd.s32 v6, v16  }
0xe6: {  	v11 =	vxor.u32 v3, v17;
	v12 =	vxor.u32 v5, v57;
	v13 =	vxor.u32 v4, v59  }
0xe7: {  	v39 =	vshrl.u32 v15, $0x10;
	v40 =	vshll.u32 v15, $0x10;
	v47 =	vor.u32 v37, v38  }
0xe8: {  	v8 =	vadd.s32 v8, v15;
	v10 =	vor.u32 v54, v55;
	v19 =	vor.u32 v56, v58  }
0xe9: {  	v62 =	vshrl.u32 v11, $0x10;
	v17 =	vshll.u32 v11, $0x10;
	v33 =	vshrl.u32 v12, $0x10  }
0xea: {  	v34 =	vshll.u32 v12, $0x10;
	v35 =	vshrl.u32 v13, $0x10;
	v36 =	vshll.u32 v13, $0x10  }
0xeb: {  	v48 =	vor.u32 v39, v40;
	v3 =	vadd.s32 v3, v11;
	v5 =	vadd.s32 v5, v12  }
0xec: {  	v4 =	vadd.s32 v4, v13;
	v14 =	vxor.u32 v7, v47;
	v10 =	vxor.u32 v2, v10  }
0xed: {  	v63 =	vxor.u32 v6, v19;
	v16 =	vor.u32 v62, v17;
	v45 =	vor.u32 v33, v34  }
0xee: {  	v46 =	vor.u32 v35, v36;
	v15 =	vxor.u32 v8, v48;
	v58 =	vshrl.u32 v14, $0x8  }
0xef: {  	v59 =	vshll.u32 v14, $0x18;
	v7 =	vadd.s32 v7, v14;
	v41 =	vshrl.u32 v10, $0x10  }
0xf0: {  	v42 =	vshll.u32 v10, $0x10;
	v43 =	vshrl.u32 v63, $0x10;
	v44 =	vshll.u32 v63, $0x10  }
0xf1: {  	v50 =	vxor.u32 v3, v16;
	v2 =	vadd.s32 v2, v10;
	v6 =	vadd.s32 v6, v63  }
0xf2: {  	v10 =	vxor.u32 v5, v45;
	v13 =	vxor.u32 v4, v46;
	v60 =	vshrl.u32 v15, $0x8  }
0xf3: {  	v61 =	vshll.u32 v15, $0x18;
	v35 =	vor.u32 v58, v59;
	v8 =	vadd.s32 v8, v15  }
0xf4: {  	v49 =	vor.u32 v41, v42;
	v11 =	vor.u32 v43, v44;
	v52 =	vshrl.u32 v50, $0x8  }
0xf5: {  	v53 =	vshll.u32 v50, $0x18;
	v54 =	vshrl.u32 v10, $0x8;
	v55 =	vshll.u32 v10, $0x18  }
0xf6: {  	v56 =	vshrl.u32 v13, $0x8;
	v57 =	vshll.u32 v13, $0x18;
	v36 =	vor.u32 v60, v61  }
0xf7: {  	v3 =	vadd.s32 v3, v50;
	v5 =	vadd.s32 v5, v10;
	v4 =	vadd.s32 v4, v13  }
0xf8: {  	v39 =	vxor.u32 v7, v35;
	v51 =	vxor.u32 v2, v49;
	v11 =	vxor.u32 v6, v11  }
0xf9: {  	v17 =	vor.u32 v52, v53;
	v19 =	vor.u32 v54, v55;
	v34 =	vor.u32 v56, v57  }
0xfa: {  	v40 =	vxor.u32 v8, v36;
	v13 =	vadd.s32 $0x45E002FF, v39;
	v62 =	vshrl.u32 v51, $0x8  }
0xfb: {  	v63 =	vshll.u32 v51, $0x18;
	v32 =	vshrl.u32 v11, $0x8;
	v33 =	vshll.u32 v11, $0x18  }
0xfc: {  	v2 =	vadd.s32 v2, v51;
	v10 =	vxor.u32 v3, v17;
	v38 =	vxor.u32 v5, v19  }
0xfd: {  	v6 =	vadd.s32 v6, v11;
	v11 =	vxor.u32 v4, v34;
	v14 =	vadd.s32 $0x45E002FF, v40  }
0xfe: {  	v7 =	vadd.s32 v13, v7;
	v46 =	vshrl.u32 v13, $0x13;
	v13 =	vshll.u32 v13, $0xD  }
0xff: {  	v37 =	vor.u32 v62, v63;
	v18 =	vor.u32 v32, v33;
	v10 =	vadd.s32 $0x45E002FF, v10  }
0x100: {  	v12 =	vadd.s32 $0x45E002FF, v38;
	v11 =	vadd.s32 $0x45E002FF, v11;
	v8 =	vadd.s32 v14, v8  }
0x101: {  	v47 =	vshrl.u32 v14, $0x13;
	v14 =	vshll.u32 v14, $0xD;
	v7 =	vadd.s32 $0x76F86359, v7  }
0x102: {  	v13 =	vor.u32 v46, v13;
	v41 =	vxor.u32 v2, v37;
	v42 =	vxor.u32 v6, v18  }
0x103: {  	v3 =	vadd.s32 v10, v3;
	v43 =	vshrl.u32 v10, $0x13;
	v10 =	vshll.u32 v10, $0xD  }
0x104: {  	v5 =	vadd.s32 v12, v5;
	v44 =	vshrl.u32 v12, $0x13;
	v12 =	vshll.u32 v12, $0xD  }
0x105: {  	v4 =	vadd.s32 v11, v4;
	v45 =	vshrl.u32 v11, $0x13;
	v11 =	vshll.u32 v11, $0xD  }
0x106: {  	v8 =	vadd.s32 $0x76F86359, v8;
	v14 =	vor.u32 v47, v14;
	v13 =	vxor.u32 v7, v13  }
0x107: {  	v15 =	vadd.s32 $0x45E002FF, v41;
	v16 =	vadd.s32 $0x45E002FF, v42;
	v3 =	vadd.s32 $0x76F86359, v3  }
0x108: {  	v10 =	vor.u32 v43, v10;
	v5 =	vadd.s32 $0x76F86359, v5;
	v12 =	vor.u32 v44, v12  }
0x109: {  	v4 =	vadd.s32 $0x76F86359, v4;
	v11 =	vor.u32 v45, v11;
	v14 =	vxor.u32 v8, v14  }
0x10a: {  	v56 =	vshrl.u32 v13, $0x11;
	v57 =	vshll.u32 v13, $0xF;
	v7 =	vadd.s32 v7, v13  }
0x10b: {  	v2 =	vadd.s32 v15, v2;
	v48 =	vshrl.u32 v15, $0x13;
	v15 =	vshll.u32 v15, $0xD  }
0x10c: {  	v6 =	vadd.s32 v16, v6;
	v49 =	vshrl.u32 v16, $0x13;
	v16 =	vshll.u32 v16, $0xD  }
0x10d: {  	v10 =	vxor.u32 v3, v10;
	v12 =	vxor.u32 v5, v12;
	v11 =	vxor.u32 v4, v11  }
0x10e: {  	v58 =	vshrl.u32 v14, $0x11;
	v59 =	vshll.u32 v14, $0xF;
	v31 =	vor.u32 v56, v57  }
0x10f: {  	v8 =	vadd.s32 v8, v14;
	v2 =	vadd.s32 $0x76F86359, v2;
	v15 =	vor.u32 v48, v15  }
0x110: {  	v6 =	vadd.s32 $0x76F86359, v6;
	v16 =	vor.u32 v49, v16;
	v50 =	vshrl.u32 v10, $0x11  }
0x111: {  	v51 =	vshll.u32 v10, $0xF;
	v52 =	vshrl.u32 v12, $0x11;
	v53 =	vshll.u32 v12, $0xF  }
0x112: {  	v54 =	vshrl.u32 v11, $0x11;
	v55 =	vshll.u32 v11, $0xF;
	v32 =	vor.u32 v58, v59  }
0x113: {  	v3 =	vadd.s32 v3, v10;
	v5 =	vadd.s32 v5, v12;
	v4 =	vadd.s32 v4, v11  }
0x114: {  	v13 =	vxor.u32 v7, v31;
	v15 =	vxor.u32 v2, v15;
	v16 =	vxor.u32 v6, v16  }
0x115: {  	v17 =	vor.u32 v50, v51;
	v19 =	vor.u32 v52, v53;
	v30 =	vor.u32 v54, v55  }
0x116: {  	v14 =	vxor.u32 v8, v32;
	v42 =	vshrl.u32 v13, $0x6;
	v43 =	vshll.u32 v13, $0x1A  }
0x117: {  	v7 =	vadd.s32 v7, v13;
	v60 =	vshrl.u32 v15, $0x11;
	v61 =	vshll.u32 v15, $0xF  }
0x118: {  	v62 =	vshrl.u32 v16, $0x11;
	v63 =	vshll.u32 v16, $0xF;
	v2 =	vadd.s32 v2, v15  }
0x119: {  	v10 =	vxor.u32 v3, v17;
	v11 =	vxor.u32 v5, v19;
	v6 =	vadd.s32 v6, v16  }
0x11a: {  	v34 =	vxor.u32 v4, v30;
	v44 =	vshrl.u32 v14, $0x6;
	v45 =	vshll.u32 v14, $0x1A  }
0x11b: {  	v52 =	vor.u32 v42, v43;
	v8 =	vadd.s32 v8, v14;
	v33 =	vor.u32 v60, v61  }
0x11c: {  	v18 =	vor.u32 v62, v63;
	v35 =	vshrl.u32 v10, $0x6;
	v38 =	vshll.u32 v10, $0x1A  }
0x11d: {  	v19 =	vshrl.u32 v11, $0x6;
	v39 =	vshll.u32 v11, $0x1A;
	v40 =	vshrl.u32 v34, $0x6  }
0x11e: {  	v41 =	vshll.u32 v34, $0x1A;
	v53 =	vor.u32 v44, v45;
	v3 =	vadd.s32 v3, v10  }
0x11f: {  	v5 =	vadd.s32 v5, v11;
	v4 =	vadd.s32 v4, v34;
	v56 =	vxor.u32 v7, v52  }
0x120: {  	v36 =	vxor.u32 v2, v33;
	v37 =	vxor.u32 v6, v18;
	v15 =	vor.u32 v35, v38  }
0x121: {  	v49 =	vor.u32 v19, v39;
	v51 =	vor.u32 v40, v41;
	v57 =	vxor.u32 v8, v53  }
0x122: {  	v34 =	vshrl.u32 v56, $0x1A;
	v35 =	vshll.u32 v56, $0x6;
	v7 =	vadd.s32 v7, v56  }
0x123: {  	v46 =	vshrl.u32 v36, $0x6;
	v47 =	vshll.u32 v36, $0x1A;
	v48 =	vshrl.u32 v37, $0x6  }
0x124: {  	v50 =	vshll.u32 v37, $0x1A;
	v2 =	vadd.s32 v2, v36;
	v6 =	vadd.s32 v6, v37  }
0x125: {  	v11 =	vxor.u32 v3, v15;
	v54 =	vxor.u32 v5, v49;
	v55 =	vxor.u32 v4, v51  }
0x126: {  	v36 =	vshrl.u32 v57, $0x1A;
	v37 =	vshll.u32 v57, $0x6;
	v44 =	vor.u32 v34, v35  }
0x127: {  	v56 =	vadd.s32 $0x45E002FB, v7;
	v10 =	vor.u32 v46, v47;
	v19 =	vor.u32 v48, v50  }
0x128: {  	v58 =	vshrl.u32 v11, $0x1A;
	v59 =	vshll.u32 v11, $0x6;
	v61 =	vshrl.u32 v54, $0x1A  }
0x129: {  	v62 =	vshll.u32 v54, $0x6;
	v63 =	vshrl.u32 v55, $0x1A;
	v33 =	vshll.u32 v55, $0x6  }
0x12a: {  	v45 =	vor.u32 v36, v37;
	v11 =	vadd.s32 v3, v11;
	v12 =	vadd.s32 v5, v54  }
0x12b: {  	v13 =	vadd.s32 v4, v55;
	v47 =	vadd.s32 v8, v57;
	v50 =	vxor.u32 v7, v44  }
0x12c: {  	v10 =	vxor.u32 v2, v10;
	v60 =	vxor.u32 v6, v19;
	v16 =	vor.u32 v58, v59  }
0x12d: {  	v42 =	vor.u32 v61, v62;
	v43 =	vor.u32 v63, v33;
	v51 =	vxor.u32 v47, v45  }
0x12e: {  	v17 =	vadd.s32 $0x28C97A7D, v50;
	v14 =	vadd.s32 $0x45E002FB, v47;
	v38 =	vshrl.u32 v10, $0x1A  }
0x12f: {  	v39 =	vshll.u32 v10, $0x6;
	v40 =	vshrl.u32 v60, $0x1A;
	v41 =	vshll.u32 v60, $0x6  }
0x130: {  	v8 =	vxor.u32 v11, v16;
	v10 =	vadd.s32 v2, v10;
	v48 =	vadd.s32 v6, v60  }
0x131: {  	v6 =	vxor.u32 v12, v42;
	v49 =	vxor.u32 v13, v43;
	v18 =	vadd.s32 $0x28C97A7D, v51  }
0x132: {  	v11 =	vadd.s32 $0x45E002FB, v11;
	v12 =	vadd.s32 $0x45E002FB, v12;
	v13 =	vadd.s32 $0x45E002FB, v13  }
0x133: {  	v3 =	vld [tilespmem:s10+$0xFFFFFFD0];
	v57 =	vxor.u32 v56, v17;
	v46 =	vor.u32 v38, v39;
	v5 =	vor.u32 v40, v41  }
0x134: {  	v4 =	vld [tilespmem:s10+$0xFFFFFFF0];
	v54 =	vadd.s32 $0x28C97A7D, v8;
	v55 =	vadd.s32 $0x28C97A7D, v6;
	v16 =	vadd.s32 $0x28C97A7D, v49  }
0x135: {  	v7 =	vld [tilespmem:s10+$0x20];
	v15 =	vadd.s32 $0x45E002FB, v48;
	v14 =	vxor.u32 v14, v18;
	vm5 =	vlt.u32 v57, $0x33333400  }
0x136: {  	v52 =	vxor.u32 v10, v46;
	v53 =	vxor.u32 v48, v5;
	v11 =	vxor.u32 v11, v54  }
0x137: {  	v2 =	vld [tilespmem:s10+$0xFFFFFFE0];
	v10 =	vadd.s32 $0x45E002FB, v10;
	v12 =	vxor.u32 v12, v55;
	v13 =	vxor.u32 v13, v16  }
0x138: {  	v8 =	vld [tilespmem:s10+$0xFFFFFFC0];
	vm8 =	vlt.u32 v14, $0x33333400;
	v19 =	vadd.s32 $0x28C97A7D, v52;
	v20 =	vadd.s32 $0x28C97A7D, v53  }
0x139: {  	v6 =	vld [tilespmem:s10+$0x10];
	v59 =	vand.u32 $0xFFFFFFFD, v3;
	v61 =	vand.u32 $0xFFFFFFFD, v4;
	vm2 =	vlt.u32 v11, $0x33333400  }
0x13a: {  	v5 =	vld [tilespmem:s10+$0x0];
	vm3 =	vlt.u32 v12, $0x33333400;
	v11 =	vand.u32 $0xFFFFFFFD, v7;
	vm4 =	vlt.u32 v13, $0x33333400  }
0x13b: {  	v10 =	vxor.u32 v10, v19;
	v15 =	vxor.u32 v15, v20;
	vm7 =	vne.s32 v59, $0x0  }
0x13c: {  	vm11 =	vne.s32 v61, $0x0;
	vm1 =	vne.s32 v11, $0x0;
	v60 =	vand.u32 $0xFFFFFFFD, v2  }
0x13d: {  	vm9 =	vlt.u32 v10, $0x33333400;
	vm0 =	vlt.u32 v15, $0x33333400;
	vm7 =	vmand vm3, vm7  }
0x13e: {  	v58 =	vand.u32 $0xFFFFFFFD, v8;
	v63 =	vand.u32 $0xFFFFFFFD, v6;
	vm10 =	vne.s32 v60, $0x0  }
0x13f: {  	v62 =	vand.u32 $0xFFFFFFFD, v5;
	vm6 =	vne.s32 v58, $0x0;
	vm13 =	vne.s32 v63, $0x0  }
0x140: {  	s11 =	simm.s32 $0x1840;
	vm3 =	vmand vm4, vm10;
	vm4 =	vmand vm5, vm11;
	vm12 =	vne.s32 v62, $0x0  }
0x141: {  	s12 =	simm.s32 $0x0;
	[tilespmem:s11+$0x30] =	vst v9;
	vm6 =	vmand vm2, vm6;
	vm2 =	vmand vm9, vm13;
	vm5 =	vmand vm8, vm12  }
.LBB2_2:
0x142: {  	s19 =	sadd.s32 s12, s6;
	s12 =	sadd.s32 $0x80, s12;
	v8 =	vsel vm6, $0x0, v8;
	v3 =	vsel vm7, $0x0, v3;
	vm0 =	vmand vm0, vm1  }
0x143: {  	v2 =	vsel vm3, $0x0, v2;
	v4 =	vsel vm4, $0x0, v4;
	v5 =	vsel vm5, $0x0, v5;
	s20 =	sadd.s32 $0x77056449, s19;
	p0 =	slt.u32 s12, $0x1780;
	[tilespmem:s11+$0xFFFFFFC0] =	vst v8  }
0x144: {  	s15 =	sadd.s32 $0x770563D9, s19;
	s13 =	sadd.s32 $0x770563E9, s19;
	v8 =	vadd.s32 s20, v0;
	[tilespmem:s11+$0xFFFFFFD0] =	vst v3;
	v3 =	vsel vm2, $0x0, v6;
	v6 =	vsel vm0, $0x0, v7  }
0x145: {  	s16 =	sadd.s32 $0x770563F9, s19;
	s14 =	sadd.s32 $0x77056409, s19;
	v7 =	vadd.s32 s15, v0;
	v9 =	vshrl.u32 v8, $0x13;
	v8 =	vshll.u32 v8, $0xD;
	[tilespmem:s11+$0x0] =	vst v5  }
0x146: {  	s18 =	sadd.s32 $0x77056419, s19;
	s17 =	sadd.s32 $0x77056429, s19;
	v10 =	vadd.s32 s20, v1;
	v5 =	vadd.s32 s13, v0;
	v8 =	vor.u32 v9, v8;
	[tilespmem:s11+$0xFFFFFFE0] =	vst v2  }
0x147: {  	s19 =	sadd.s32 $0x77056439, s19;
	v2 =	vadd.s32 s16, v0;
	v9 =	vadd.s32 s14, v0;
	v8 =	vxor.u32 v10, v8;
	[tilespmem:s11+$0xFFFFFFF0] =	vst v4  }
0x148: {  	v4 =	vadd.s32 s18, v0;
	v11 =	vshrl.u32 v8, $0x11;
	v12 =	vshll.u32 v8, $0xF;
	[tilespmem:s11+$0x10] =	vst v3  }
0x149: {  	v3 =	vadd.s32 s17, v0;
	v8 =	vadd.s32 v10, v8;
	v10 =	vor.u32 v11, v12;
	[tilespmem:s11+$0x20] =	vst v6  }
0x14a: {  	v6 =	vshrl.u32 v7, $0x13;
	v11 =	vadd.s32 s19, v0;
	v10 =	vxor.u32 v8, v10  }
0x14b: {  	v7 =	vshll.u32 v7, $0xD;
	v12 =	vshrl.u32 v10, $0x6;
	v13 =	vshll.u32 v10, $0x1A  }
0x14c: {  	v14 =	vshrl.u32 v5, $0x13;
	v8 =	vadd.s32 v8, v10;
	v10 =	vor.u32 v12, v13  }
0x14d: {  	v5 =	vshll.u32 v5, $0xD;
	v12 =	vshrl.u32 v2, $0x13;
	v10 =	vxor.u32 v8, v10  }
0x14e: {  	v2 =	vshll.u32 v2, $0xD;
	v13 =	vshrl.u32 v10, $0x1A;
	v15 =	vshll.u32 v10, $0x6  }
0x14f: {  	v16 =	vshrl.u32 v9, $0x13;
	v8 =	vadd.s32 v8, v10;
	v10 =	vor.u32 v13, v15  }
0x150: {  	v9 =	vshll.u32 v9, $0xD;
	v13 =	vshrl.u32 v4, $0x13;
	v10 =	vxor.u32 v8, v10  }
0x151: {  	v4 =	vshll.u32 v4, $0xD;
	v15 =	vshrl.u32 v3, $0x13;
	v10 =	vadd.s32 $0x45E002FC, v10  }
0x152: {  	v8 =	vadd.s32 v10, v8;
	v17 =	vshrl.u32 v10, $0xF;
	v10 =	vshll.u32 v10, $0x11  }
0x153: {  	v3 =	vshll.u32 v3, $0xD;
	v8 =	vadd.s32 $0x76F86359, v8;
	v10 =	vor.u32 v17, v10  }
0x154: {  	v17 =	vshrl.u32 v11, $0x13;
	v11 =	vshll.u32 v11, $0xD;
	v10 =	vxor.u32 v8, v10  }
0x155: {  	v6 =	vor.u32 v6, v7;
	v7 =	vshrl.u32 v10, $0x3;
	v18 =	vshll.u32 v10, $0x1D  }
0x156: {  	v5 =	vor.u32 v14, v5;
	v8 =	vadd.s32 v8, v10;
	v7 =	vor.u32 v7, v18  }
0x157: {  	v9 =	vor.u32 v16, v9;
	v2 =	vor.u32 v12, v2;
	v7 =	vxor.u32 v8, v7  }
0x158: {  	v4 =	vor.u32 v13, v4;
	v10 =	vshrl.u32 v7, $0x10;
	v12 =	vshll.u32 v7, $0x10  }
0x159: {  	v3 =	vor.u32 v15, v3;
	v7 =	vadd.s32 v8, v7;
	v8 =	vor.u32 v10, v12  }
0x15a: {  	v11 =	vor.u32 v17, v11;
	v10 =	vadd.s32 s15, v1;
	v8 =	vxor.u32 v7, v8  }
0x15b: {  	v12 =	vadd.s32 s13, v1;
	v13 =	vshrl.u32 v8, $0x8;
	v14 =	vshll.u32 v8, $0x18  }
0x15c: {  	v15 =	vadd.s32 s16, v1;
	v7 =	vadd.s32 v7, v8;
	v8 =	vor.u32 v13, v14  }
0x15d: {  	v13 =	vadd.s32 s14, v1;
	v14 =	vadd.s32 s18, v1;
	v8 =	vxor.u32 v7, v8  }
0x15e: {  	v16 =	vadd.s32 s17, v1;
	v17 =	vadd.s32 s19, v1;
	v8 =	vadd.s32 $0x28C97A7A, v8  }
0x15f: {  	v7 =	vadd.s32 v8, v7;
	v18 =	vshrl.u32 v8, $0x13;
	v8 =	vshll.u32 v8, $0xD  }
0x160: {  	v6 =	vxor.u32 v10, v6;
	v7 =	vadd.s32 $0x45E002FB, v7;
	v8 =	vor.u32 v18, v8  }
0x161: {  	v2 =	vxor.u32 v15, v2;
	v5 =	vxor.u32 v12, v5;
	v8 =	vxor.u32 v7, v8  }
0x162: {  	v9 =	vxor.u32 v13, v9;
	v18 =	vshrl.u32 v8, $0x11;
	v19 =	vshll.u32 v8, $0xF  }
0x163: {  	v4 =	vxor.u32 v14, v4;
	v7 =	vadd.s32 v7, v8;
	v8 =	vor.u32 v18, v19  }
0x164: {  	v3 =	vxor.u32 v16, v3;
	v11 =	vxor.u32 v17, v11;
	v8 =	vxor.u32 v7, v8  }
0x165: {  	v18 =	vshrl.u32 v6, $0x11;
	v19 =	vshrl.u32 v8, $0x6;
	v20 =	vshll.u32 v8, $0x1A  }
0x166: {  	v21 =	vshll.u32 v6, $0xF;
	v7 =	vadd.s32 v7, v8;
	v8 =	vor.u32 v19, v20  }
0x167: {  	v19 =	vshrl.u32 v5, $0x11;
	v20 =	vshll.u32 v5, $0xF;
	v8 =	vxor.u32 v7, v8  }
0x168: {  	v22 =	vshrl.u32 v2, $0x11;
	v23 =	vshrl.u32 v8, $0x1A;
	v24 =	vshll.u32 v8, $0x6  }
0x169: {  	v25 =	vshll.u32 v2, $0xF;
	v7 =	vadd.s32 v7, v8;
	v8 =	vor.u32 v23, v24  }
0x16a: {  	v23 =	vshrl.u32 v9, $0x11;
	v24 =	vshll.u32 v9, $0xF;
	v8 =	vxor.u32 v7, v8  }
0x16b: {  	v26 =	vshrl.u32 v4, $0x11;
	v27 =	vshll.u32 v4, $0xF;
	v8 =	vadd.s32 $0x76F8635C, v8  }
0x16c: {  	v7 =	vadd.s32 v8, v7;
	v28 =	vshrl.u32 v8, $0xF;
	v8 =	vshll.u32 v8, $0x11  }
0x16d: {  	v29 =	vshrl.u32 v3, $0x11;
	v7 =	vadd.s32 $0x28C97A78, v7;
	v8 =	vor.u32 v28, v8  }
0x16e: {  	v30 =	vshrl.u32 v11, $0x11;
	v28 =	vshll.u32 v3, $0xF;
	v8 =	vxor.u32 v7, v8  }
0x16f: {  	v31 =	vshll.u32 v11, $0xF;
	v32 =	vshrl.u32 v8, $0x3;
	v33 =	vshll.u32 v8, $0x1D  }
0x170: {  	v18 =	vor.u32 v18, v21;
	v7 =	vadd.s32 v7, v8;
	v8 =	vor.u32 v32, v33  }
0x171: {  	v19 =	vor.u32 v19, v20;
	v20 =	vor.u32 v22, v25;
	v8 =	vxor.u32 v7, v8  }
0x172: {  	v21 =	vor.u32 v23, v24;
	v22 =	vshrl.u32 v8, $0x10;
	v23 =	vshll.u32 v8, $0x10  }
0x173: {  	v24 =	vor.u32 v26, v27;
	v7 =	vadd.s32 v7, v8;
	v8 =	vor.u32 v22, v23  }
0x174: {  	v22 =	vor.u32 v29, v28;
	v23 =	vor.u32 v30, v31;
	v8 =	vxor.u32 v7, v8  }
0x175: {  	v10 =	vadd.s32 v10, v6;
	v6 =	vshrl.u32 v8, $0x8;
	v25 =	vshll.u32 v8, $0x18  }
0x176: {  	v12 =	vadd.s32 v12, v5;
	v5 =	vadd.s32 v7, v8;
	v6 =	vor.u32 v6, v25  }
0x177: {  	v15 =	vadd.s32 v15, v2;
	v9 =	vadd.s32 v13, v9;
	v2 =	vxor.u32 v5, v6  }
0x178: {  	v13 =	vadd.s32 v14, v4;
	v14 =	vadd.s32 v16, v3;
	v2 =	vadd.s32 $0x45E002FF, v2  }
0x179: {  	v3 =	vadd.s32 v2, v5;
	v4 =	vshrl.u32 v2, $0x13;
	v2 =	vshll.u32 v2, $0xD  }
0x17a: {  	v11 =	vadd.s32 v17, v11;
	v3 =	vadd.s32 $0x76F86359, v3;
	v2 =	vor.u32 v4, v2  }
0x17b: {  	v17 =	vxor.u32 v12, v19;
	v16 =	vxor.u32 v10, v18;
	v2 =	vxor.u32 v3, v2  }
0x17c: {  	v18 =	vxor.u32 v15, v20;
	v4 =	vshrl.u32 v2, $0x11;
	v5 =	vshll.u32 v2, $0xF  }
0x17d: {  	v19 =	vxor.u32 v9, v21;
	v2 =	vadd.s32 v3, v2;
	v3 =	vor.u32 v4, v5  }
0x17e: {  	v20 =	vxor.u32 v13, v24;
	v21 =	vxor.u32 v14, v22;
	v3 =	vxor.u32 v2, v3  }
0x17f: {  	v22 =	vxor.u32 v11, v23;
	v4 =	vshrl.u32 v3, $0x6;
	v5 =	vshll.u32 v3, $0x1A  }
0x180: {  	s10 =	sadd.s32 $0x80, s10;
	v23 =	vshrl.u32 v16, $0x6;
	v6 =	vadd.s32 v2, v3;
	v2 =	vor.u32 v4, v5  }
0x181: {  	v24 =	vshll.u32 v16, $0x1A;
	v25 =	vshrl.u32 v17, $0x6;
	v26 =	vld [tilespmem:s10+$0x30];
	v4 =	vxor.u32 v6, v2  }
0x182: {  	v27 =	vshll.u32 v17, $0x1A;
	v3 =	vld [tilespmem:s10+$0xFFFFFFD0];
	v5 =	vshrl.u32 v4, $0x1A;
	v7 =	vshll.u32 v4, $0x6  }
0x183: {  	v28 =	vshrl.u32 v18, $0x6;
	v6 =	vadd.s32 v6, v4;
	v2 =	vld [tilespmem:s10+$0xFFFFFFE0];
	v5 =	vor.u32 v5, v7  }
0x184: {  	v29 =	vshll.u32 v18, $0x1A;
	v30 =	vshrl.u32 v19, $0x6;
	v4 =	vld [tilespmem:s10+$0xFFFFFFF0];
	v7 =	vxor.u32 v6, v5  }
0x185: {  	v31 =	vshll.u32 v19, $0x1A;
	v8 =	vadd.s32 $0x45E002FB, v6;
	v5 =	vld [tilespmem:s10+$0x0];
	v7 =	vadd.s32 $0x28C97A7D, v7  }
0x186: {  	v32 =	vshrl.u32 v20, $0x6;
	v6 =	vld [tilespmem:s10+$0x10];
	v8 =	vxor.u32 v8, v7;
	v33 =	vand.u32 $0xFFFFFFFD, v26  }
0x187: {  	v34 =	vshll.u32 v20, $0x1A;
	v7 =	vld [tilespmem:s10+$0x20];
	vm0 =	vlt.u32 v8, $0x33333400;
	vm1 =	vne.s32 v33, $0x0  }
0x188: {  	v35 =	vshll.u32 v21, $0x1A;
	v33 =	vshrl.u32 v21, $0x6;
	v8 =	vld [tilespmem:s10+$0xFFFFFFC0];
	vm0 =	vmand vm0, vm1  }
0x189: {  	s11 =	sadd.s32 $0x80, s11;
	v36 =	vshrl.u32 v22, $0x6;
	v37 =	vshll.u32 v22, $0x1A;
	v26 =	vsel vm0, $0x0, v26  }
0x18a: {  	v23 =	vor.u32 v23, v24;
	v24 =	vor.u32 v25, v27;
	v25 =	vor.u32 v28, v29;
	[tilespmem:s11+$0x30] =	vst v26  }
0x18b: {  	v27 =	vor.u32 v32, v34;
	v28 =	vor.u32 v33, v35;
	v26 =	vor.u32 v30, v31  }
0x18c: {  	v12 =	vadd.s32 v12, v17;
	v10 =	vadd.s32 v10, v16;
	v16 =	vor.u32 v36, v37  }
0x18d: {  	v15 =	vadd.s32 v15, v18;
	v9 =	vadd.s32 v9, v19;
	v13 =	vadd.s32 v13, v20  }
0x18e: {  	v14 =	vadd.s32 v14, v21;
	v11 =	vadd.s32 v11, v22;
	v17 =	vxor.u32 v10, v23  }
0x18f: {  	v18 =	vxor.u32 v12, v24;
	v19 =	vxor.u32 v15, v25;
	v20 =	vxor.u32 v9, v26  }
0x190: {  	v16 =	vxor.u32 v11, v16;
	v21 =	vxor.u32 v13, v27;
	v22 =	vxor.u32 v14, v28  }
0x191: {  	v23 =	vshrl.u32 v17, $0x1A;
	v24 =	vshll.u32 v17, $0x6;
	v25 =	vshrl.u32 v18, $0x1A  }
0x192: {  	v27 =	vshrl.u32 v19, $0x1A;
	v28 =	vshll.u32 v19, $0x6;
	v26 =	vshll.u32 v18, $0x6  }
0x193: {  	v31 =	vshrl.u32 v21, $0x1A;
	v29 =	vshrl.u32 v20, $0x1A;
	v30 =	vshll.u32 v20, $0x6  }
0x194: {  	v32 =	vshll.u32 v21, $0x6;
	v33 =	vshrl.u32 v22, $0x1A;
	v34 =	vshll.u32 v22, $0x6  }
0x195: {  	v23 =	vor.u32 v23, v24;
	v24 =	vshrl.u32 v16, $0x1A;
	v35 =	vshll.u32 v16, $0x6  }
0x196: {  	v25 =	vor.u32 v25, v26;
	v26 =	vor.u32 v27, v28;
	v27 =	vor.u32 v29, v30  }
0x197: {  	v24 =	vor.u32 v24, v35;
	v28 =	vor.u32 v31, v32;
	v29 =	vor.u32 v33, v34  }
0x198: {  	v10 =	vadd.s32 v10, v17;
	v12 =	vadd.s32 v12, v18;
	v15 =	vadd.s32 v15, v19  }
0x199: {  	v13 =	vadd.s32 v13, v21;
	v14 =	vadd.s32 v14, v22;
	v9 =	vadd.s32 v9, v20  }
0x19a: {  	v11 =	vadd.s32 v11, v16;
	v17 =	vxor.u32 v10, v23;
	v18 =	vxor.u32 v12, v25  }
0x19b: {  	v16 =	vxor.u32 v15, v26;
	v20 =	vxor.u32 v13, v28;
	v19 =	vxor.u32 v9, v27  }
0x19c: {  	v17 =	vadd.s32 $0x45E002FC, v17;
	v22 =	vxor.u32 v11, v24;
	v21 =	vxor.u32 v14, v29  }
0x19d: {  	v18 =	vadd.s32 $0x45E002FC, v18;
	v16 =	vadd.s32 $0x45E002FC, v16;
	v19 =	vadd.s32 $0x45E002FC, v19  }
0x19e: {  	v22 =	vadd.s32 $0x45E002FC, v22;
	v20 =	vadd.s32 $0x45E002FC, v20;
	v21 =	vadd.s32 $0x45E002FC, v21  }
0x19f: {  	v10 =	vadd.s32 v17, v10;
	v23 =	vshrl.u32 v17, $0xF;
	v17 =	vshll.u32 v17, $0x11  }
0x1a0: {  	v12 =	vadd.s32 v18, v12;
	v24 =	vshrl.u32 v18, $0xF;
	v18 =	vshll.u32 v18, $0x11  }
0x1a1: {  	v15 =	vadd.s32 v16, v15;
	v25 =	vshrl.u32 v16, $0xF;
	v16 =	vshll.u32 v16, $0x11  }
0x1a2: {  	v9 =	vadd.s32 v19, v9;
	v26 =	vshrl.u32 v19, $0xF;
	v19 =	vshll.u32 v19, $0x11  }
0x1a3: {  	v13 =	vadd.s32 v20, v13;
	v27 =	vshrl.u32 v20, $0xF;
	v20 =	vshll.u32 v20, $0x11  }
0x1a4: {  	v14 =	vadd.s32 v21, v14;
	v28 =	vshrl.u32 v21, $0xF;
	v21 =	vshll.u32 v21, $0x11  }
0x1a5: {  	v11 =	vadd.s32 v22, v11;
	v29 =	vshrl.u32 v22, $0xF;
	v22 =	vshll.u32 v22, $0x11  }
0x1a6: {  	v10 =	vadd.s32 $0x76F86359, v10;
	v17 =	vor.u32 v23, v17;
	v12 =	vadd.s32 $0x76F86359, v12  }
0x1a7: {  	v18 =	vor.u32 v24, v18;
	v15 =	vadd.s32 $0x76F86359, v15;
	v16 =	vor.u32 v25, v16  }
0x1a8: {  	v13 =	vadd.s32 $0x76F86359, v13;
	v9 =	vadd.s32 $0x76F86359, v9;
	v19 =	vor.u32 v26, v19  }
0x1a9: {  	v20 =	vor.u32 v27, v20;
	v14 =	vadd.s32 $0x76F86359, v14;
	v21 =	vor.u32 v28, v21  }
0x1aa: {  	v17 =	vxor.u32 v10, v17;
	v11 =	vadd.s32 $0x76F86359, v11;
	v22 =	vor.u32 v29, v22  }
0x1ab: {  	v18 =	vxor.u32 v12, v18;
	v16 =	vxor.u32 v15, v16;
	v19 =	vxor.u32 v9, v19  }
0x1ac: {  	v22 =	vxor.u32 v11, v22;
	v20 =	vxor.u32 v13, v20;
	v21 =	vxor.u32 v14, v21  }
0x1ad: {  	v23 =	vshrl.u32 v17, $0x3;
	v24 =	vshll.u32 v17, $0x1D;
	v25 =	vshrl.u32 v18, $0x3  }
0x1ae: {  	v26 =	vshll.u32 v18, $0x1D;
	v27 =	vshrl.u32 v16, $0x3;
	v28 =	vshll.u32 v16, $0x1D  }
0x1af: {  	v31 =	vshrl.u32 v20, $0x3;
	v29 =	vshrl.u32 v19, $0x3;
	v30 =	vshll.u32 v19, $0x1D  }
0x1b0: {  	v32 =	vshll.u32 v20, $0x1D;
	v33 =	vshrl.u32 v21, $0x3;
	v34 =	vshll.u32 v21, $0x1D  }
0x1b1: {  	v23 =	vor.u32 v23, v24;
	v24 =	vshrl.u32 v22, $0x3;
	v35 =	vshll.u32 v22, $0x1D  }
0x1b2: {  	v25 =	vor.u32 v25, v26;
	v26 =	vor.u32 v27, v28;
	v27 =	vor.u32 v29, v30  }
0x1b3: {  	v24 =	vor.u32 v24, v35;
	v28 =	vor.u32 v31, v32;
	v29 =	vor.u32 v33, v34  }
0x1b4: {  	v10 =	vadd.s32 v10, v17;
	v12 =	vadd.s32 v12, v18;
	v15 =	vadd.s32 v15, v16  }
0x1b5: {  	v13 =	vadd.s32 v13, v20;
	v9 =	vadd.s32 v9, v19;
	v14 =	vadd.s32 v14, v21  }
0x1b6: {  	v11 =	vadd.s32 v11, v22;
	v16 =	vxor.u32 v10, v23;
	v17 =	vxor.u32 v12, v25  }
0x1b7: {  	v18 =	vxor.u32 v15, v26;
	v20 =	vxor.u32 v13, v28;
	v19 =	vxor.u32 v9, v27  }
0x1b8: {  	v21 =	vshrl.u32 v16, $0x10;
	v23 =	vxor.u32 v11, v24;
	v22 =	vxor.u32 v14, v29  }
0x1b9: {  	v24 =	vshll.u32 v16, $0x10;
	v25 =	vshrl.u32 v17, $0x10;
	v26 =	vshll.u32 v17, $0x10  }
0x1ba: {  	v27 =	vshrl.u32 v18, $0x10;
	v28 =	vshll.u32 v18, $0x10;
	v29 =	vshrl.u32 v19, $0x10  }
0x1bb: {  	v31 =	vshrl.u32 v20, $0x10;
	v32 =	vshll.u32 v20, $0x10;
	v30 =	vshll.u32 v19, $0x10  }
0x1bc: {  	v35 =	vshrl.u32 v23, $0x10;
	v33 =	vshrl.u32 v22, $0x10;
	v34 =	vshll.u32 v22, $0x10  }
0x1bd: {  	v21 =	vor.u32 v21, v24;
	v24 =	vor.u32 v25, v26;
	v25 =	vshll.u32 v23, $0x10  }
0x1be: {  	v26 =	vor.u32 v27, v28;
	v28 =	vor.u32 v31, v32;
	v27 =	vor.u32 v29, v30  }
0x1bf: {  	v10 =	vadd.s32 v10, v16;
	v16 =	vor.u32 v33, v34;
	v25 =	vor.u32 v35, v25  }
0x1c0: {  	v12 =	vadd.s32 v12, v17;
	v15 =	vadd.s32 v15, v18;
	v9 =	vadd.s32 v9, v19  }
0x1c1: {  	v11 =	vadd.s32 v11, v23;
	v13 =	vadd.s32 v13, v20;
	v14 =	vadd.s32 v14, v22  }
0x1c2: {  	v17 =	vxor.u32 v10, v21;
	v18 =	vxor.u32 v12, v24;
	v19 =	vxor.u32 v15, v26  }
0x1c3: {  	v21 =	vxor.u32 v13, v28;
	v20 =	vxor.u32 v9, v27;
	v16 =	vxor.u32 v14, v16  }
0x1c4: {  	v22 =	vshrl.u32 v17, $0x8;
	v23 =	vshll.u32 v17, $0x18;
	v24 =	vxor.u32 v11, v25  }
0x1c5: {  	v25 =	vshrl.u32 v18, $0x8;
	v26 =	vshll.u32 v18, $0x18;
	v27 =	vshrl.u32 v19, $0x8  }
0x1c6: {  	v28 =	vshll.u32 v19, $0x18;
	v29 =	vshrl.u32 v20, $0x8;
	v30 =	vshll.u32 v20, $0x18  }
0x1c7: {  	v31 =	vshrl.u32 v21, $0x8;
	v32 =	vshll.u32 v21, $0x18;
	v33 =	vshrl.u32 v16, $0x8  }
0x1c8: {  	v34 =	vshll.u32 v16, $0x18;
	v35 =	vshrl.u32 v24, $0x8;
	v36 =	vshll.u32 v24, $0x18  }
0x1c9: {  	v22 =	vor.u32 v22, v23;
	v23 =	vor.u32 v25, v26;
	v25 =	vor.u32 v27, v28  }
0x1ca: {  	v27 =	vor.u32 v31, v32;
	v26 =	vor.u32 v29, v30;
	v28 =	vor.u32 v33, v34  }
0x1cb: {  	v10 =	vadd.s32 v10, v17;
	v12 =	vadd.s32 v12, v18;
	v17 =	vor.u32 v35, v36  }
0x1cc: {  	v15 =	vadd.s32 v15, v19;
	v13 =	vadd.s32 v13, v21;
	v9 =	vadd.s32 v9, v20  }
0x1cd: {  	v18 =	vxor.u32 v10, v22;
	v14 =	vadd.s32 v14, v16;
	v11 =	vadd.s32 v11, v24  }
0x1ce: {  	v16 =	vxor.u32 v12, v23;
	v19 =	vxor.u32 v15, v25;
	v20 =	vxor.u32 v9, v26  }
0x1cf: {  	v21 =	vxor.u32 v13, v27;
	v22 =	vxor.u32 v14, v28;
	v17 =	vxor.u32 v11, v17  }
0x1d0: {  	v18 =	vadd.s32 $0x28C97A7A, v18;
	v16 =	vadd.s32 $0x28C97A7A, v16;
	v19 =	vadd.s32 $0x28C97A7A, v19  }
0x1d1: {  	v21 =	vadd.s32 $0x28C97A7A, v21;
	v20 =	vadd.s32 $0x28C97A7A, v20;
	v22 =	vadd.s32 $0x28C97A7A, v22  }
0x1d2: {  	v10 =	vadd.s32 v18, v10;
	v23 =	vshrl.u32 v18, $0x13;
	v17 =	vadd.s32 $0x28C97A7A, v17  }
0x1d3: {  	v18 =	vshll.u32 v18, $0xD;
	v12 =	vadd.s32 v16, v12;
	v24 =	vshrl.u32 v16, $0x13  }
0x1d4: {  	v16 =	vshll.u32 v16, $0xD;
	v15 =	vadd.s32 v19, v15;
	v25 =	vshrl.u32 v19, $0x13  }
0x1d5: {  	v19 =	vshll.u32 v19, $0xD;
	v9 =	vadd.s32 v20, v9;
	v26 =	vshrl.u32 v20, $0x13  }
0x1d6: {  	v13 =	vadd.s32 v21, v13;
	v27 =	vshrl.u32 v21, $0x13;
	v20 =	vshll.u32 v20, $0xD  }
0x1d7: {  	v21 =	vshll.u32 v21, $0xD;
	v14 =	vadd.s32 v22, v14;
	v28 =	vshrl.u32 v22, $0x13  }
0x1d8: {  	v22 =	vshll.u32 v22, $0xD;
	v11 =	vadd.s32 v17, v11;
	v29 =	vshrl.u32 v17, $0x13  }
0x1d9: {  	v10 =	vadd.s32 $0x45E002FB, v10;
	v18 =	vor.u32 v23, v18;
	v17 =	vshll.u32 v17, $0xD  }
0x1da: {  	v12 =	vadd.s32 $0x45E002FB, v12;
	v16 =	vor.u32 v24, v16;
	v15 =	vadd.s32 $0x45E002FB, v15  }
0x1db: {  	v19 =	vor.u32 v25, v19;
	v9 =	vadd.s32 $0x45E002FB, v9;
	v20 =	vor.u32 v26, v20  }
0x1dc: {  	v13 =	vadd.s32 $0x45E002FB, v13;
	v21 =	vor.u32 v27, v21;
	v14 =	vadd.s32 $0x45E002FB, v14  }
0x1dd: {  	v22 =	vor.u32 v28, v22;
	v11 =	vadd.s32 $0x45E002FB, v11;
	v17 =	vor.u32 v29, v17  }
0x1de: {  	v18 =	vxor.u32 v10, v18;
	v16 =	vxor.u32 v12, v16;
	v19 =	vxor.u32 v15, v19  }
0x1df: {  	v21 =	vxor.u32 v13, v21;
	v20 =	vxor.u32 v9, v20;
	v22 =	vxor.u32 v14, v22  }
0x1e0: {  	v23 =	vshrl.u32 v18, $0x11;
	v24 =	vshll.u32 v18, $0xF;
	v17 =	vxor.u32 v11, v17  }
0x1e1: {  	v25 =	vshrl.u32 v16, $0x11;
	v26 =	vshll.u32 v16, $0xF;
	v27 =	vshrl.u32 v19, $0x11  }
0x1e2: {  	v28 =	vshll.u32 v19, $0xF;
	v29 =	vshrl.u32 v20, $0x11;
	v30 =	vshll.u32 v20, $0xF  }
0x1e3: {  	v31 =	vshrl.u32 v21, $0x11;
	v32 =	vshll.u32 v21, $0xF;
	v33 =	vshrl.u32 v22, $0x11  }
0x1e4: {  	v34 =	vshll.u32 v22, $0xF;
	v35 =	vshrl.u32 v17, $0x11;
	v36 =	vshll.u32 v17, $0xF  }
0x1e5: {  	v23 =	vor.u32 v23, v24;
	v24 =	vor.u32 v25, v26;
	v25 =	vor.u32 v27, v28  }
0x1e6: {  	v27 =	vor.u32 v31, v32;
	v26 =	vor.u32 v29, v30;
	v28 =	vor.u32 v33, v34  }
0x1e7: {  	v10 =	vadd.s32 v10, v18;
	v12 =	vadd.s32 v12, v16;
	v16 =	vor.u32 v35, v36  }
0x1e8: {  	v15 =	vadd.s32 v15, v19;
	v13 =	vadd.s32 v13, v21;
	v9 =	vadd.s32 v9, v20  }
0x1e9: {  	v18 =	vxor.u32 v10, v23;
	v14 =	vadd.s32 v14, v22;
	v11 =	vadd.s32 v11, v17  }
0x1ea: {  	v17 =	vxor.u32 v12, v24;
	v19 =	vxor.u32 v15, v25;
	v20 =	vxor.u32 v9, v26  }
0x1eb: {  	v21 =	vxor.u32 v13, v27;
	v22 =	vxor.u32 v14, v28;
	v16 =	vxor.u32 v11, v16  }
0x1ec: {  	v23 =	vshrl.u32 v18, $0x6;
	v24 =	vshll.u32 v18, $0x1A;
	v25 =	vshrl.u32 v17, $0x6  }
0x1ed: {  	v26 =	vshll.u32 v17, $0x1A;
	v27 =	vshrl.u32 v19, $0x6;
	v28 =	vshll.u32 v19, $0x1A  }
0x1ee: {  	v31 =	vshrl.u32 v21, $0x6;
	v29 =	vshrl.u32 v20, $0x6;
	v30 =	vshll.u32 v20, $0x1A  }
0x1ef: {  	v32 =	vshll.u32 v21, $0x1A;
	v33 =	vshrl.u32 v22, $0x6;
	v34 =	vshll.u32 v22, $0x1A  }
0x1f0: {  	v23 =	vor.u32 v23, v24;
	v24 =	vshrl.u32 v16, $0x6;
	v35 =	vshll.u32 v16, $0x1A  }
0x1f1: {  	v25 =	vor.u32 v25, v26;
	v26 =	vor.u32 v27, v28;
	v27 =	vor.u32 v29, v30  }
0x1f2: {  	v28 =	vor.u32 v31, v32;
	v29 =	vor.u32 v33, v34;
	v24 =	vor.u32 v24, v35  }
0x1f3: {  	v10 =	vadd.s32 v10, v18;
	v12 =	vadd.s32 v12, v17;
	v15 =	vadd.s32 v15, v19  }
0x1f4: {  	v13 =	vadd.s32 v13, v21;
	v9 =	vadd.s32 v9, v20;
	v14 =	vadd.s32 v14, v22  }
0x1f5: {  	v17 =	vxor.u32 v10, v23;
	v11 =	vadd.s32 v11, v16;
	v18 =	vxor.u32 v12, v25  }
0x1f6: {  	v16 =	vxor.u32 v15, v26;
	v20 =	vxor.u32 v13, v28;
	v19 =	vxor.u32 v9, v27  }
0x1f7: {  	v21 =	vshrl.u32 v17, $0x1A;
	v22 =	vxor.u32 v14, v29;
	v23 =	vxor.u32 v11, v24  }
0x1f8: {  	v24 =	vshll.u32 v17, $0x6;
	v25 =	vshrl.u32 v18, $0x1A;
	v26 =	vshll.u32 v18, $0x6  }
0x1f9: {  	v27 =	vshrl.u32 v16, $0x1A;
	v28 =	vshll.u32 v16, $0x6;
	v29 =	vshrl.u32 v19, $0x1A  }
0x1fa: {  	v31 =	vshrl.u32 v20, $0x1A;
	v32 =	vshll.u32 v20, $0x6;
	v30 =	vshll.u32 v19, $0x6  }
0x1fb: {  	v33 =	vshrl.u32 v22, $0x1A;
	v34 =	vshll.u32 v22, $0x6;
	v35 =	vshrl.u32 v23, $0x1A  }
0x1fc: {  	v21 =	vor.u32 v21, v24;
	v24 =	vor.u32 v25, v26;
	v25 =	vshll.u32 v23, $0x6  }
0x1fd: {  	v26 =	vor.u32 v27, v28;
	v28 =	vor.u32 v31, v32;
	v27 =	vor.u32 v29, v30  }
0x1fe: {  	v10 =	vadd.s32 v10, v17;
	v17 =	vor.u32 v33, v34;
	v25 =	vor.u32 v35, v25  }
0x1ff: {  	v12 =	vadd.s32 v12, v18;
	v15 =	vadd.s32 v15, v16;
	v9 =	vadd.s32 v9, v19  }
0x200: {  	v13 =	vadd.s32 v13, v20;
	v14 =	vadd.s32 v14, v22;
	v11 =	vadd.s32 v11, v23  }
0x201: {  	v16 =	vxor.u32 v10, v21;
	v18 =	vxor.u32 v12, v24;
	v19 =	vxor.u32 v15, v26  }
0x202: {  	v21 =	vxor.u32 v13, v28;
	v20 =	vxor.u32 v9, v27;
	v17 =	vxor.u32 v14, v17  }
0x203: {  	v16 =	vadd.s32 $0x76F8635C, v16;
	v18 =	vadd.s32 $0x76F8635C, v18;
	v22 =	vxor.u32 v11, v25  }
0x204: {  	v19 =	vadd.s32 $0x76F8635C, v19;
	v21 =	vadd.s32 $0x76F8635C, v21;
	v20 =	vadd.s32 $0x76F8635C, v20  }
0x205: {  	v10 =	vadd.s32 v16, v10;
	v17 =	vadd.s32 $0x76F8635C, v17;
	v22 =	vadd.s32 $0x76F8635C, v22  }
0x206: {  	v23 =	vshrl.u32 v16, $0xF;
	v16 =	vshll.u32 v16, $0x11;
	v12 =	vadd.s32 v18, v12  }
0x207: {  	v24 =	vshrl.u32 v18, $0xF;
	v18 =	vshll.u32 v18, $0x11;
	v15 =	vadd.s32 v19, v15  }
0x208: {  	v25 =	vshrl.u32 v19, $0xF;
	v19 =	vshll.u32 v19, $0x11;
	v9 =	vadd.s32 v20, v9  }
0x209: {  	v13 =	vadd.s32 v21, v13;
	v26 =	vshrl.u32 v20, $0xF;
	v20 =	vshll.u32 v20, $0x11  }
0x20a: {  	v27 =	vshrl.u32 v21, $0xF;
	v21 =	vshll.u32 v21, $0x11;
	v14 =	vadd.s32 v17, v14  }
0x20b: {  	v28 =	vshrl.u32 v17, $0xF;
	v17 =	vshll.u32 v17, $0x11;
	v11 =	vadd.s32 v22, v11  }
0x20c: {  	v10 =	vadd.s32 $0x28C97A78, v10;
	v29 =	vshrl.u32 v22, $0xF;
	v22 =	vshll.u32 v22, $0x11  }
0x20d: {  	v16 =	vor.u32 v23, v16;
	v12 =	vadd.s32 $0x28C97A78, v12;
	v18 =	vor.u32 v24, v18  }
0x20e: {  	v15 =	vadd.s32 $0x28C97A78, v15;
	v19 =	vor.u32 v25, v19;
	v9 =	vadd.s32 $0x28C97A78, v9  }
0x20f: {  	v13 =	vadd.s32 $0x28C97A78, v13;
	v21 =	vor.u32 v27, v21;
	v20 =	vor.u32 v26, v20  }
0x210: {  	v14 =	vadd.s32 $0x28C97A78, v14;
	v17 =	vor.u32 v28, v17;
	v11 =	vadd.s32 $0x28C97A78, v11  }
0x211: {  	v16 =	vxor.u32 v10, v16;
	v18 =	vxor.u32 v12, v18;
	v22 =	vor.u32 v29, v22  }
0x212: {  	v19 =	vxor.u32 v15, v19;
	v21 =	vxor.u32 v13, v21;
	v20 =	vxor.u32 v9, v20  }
0x213: {  	v23 =	vshrl.u32 v16, $0x3;
	v17 =	vxor.u32 v14, v17;
	v22 =	vxor.u32 v11, v22  }
0x214: {  	v24 =	vshll.u32 v16, $0x1D;
	v25 =	vshrl.u32 v18, $0x3;
	v26 =	vshll.u32 v18, $0x1D  }
0x215: {  	v27 =	vshrl.u32 v19, $0x3;
	v28 =	vshll.u32 v19, $0x1D;
	v29 =	vshrl.u32 v20, $0x3  }
0x216: {  	v31 =	vshrl.u32 v21, $0x3;
	v32 =	vshll.u32 v21, $0x1D;
	v30 =	vshll.u32 v20, $0x1D  }
0x217: {  	v33 =	vshrl.u32 v17, $0x3;
	v34 =	vshll.u32 v17, $0x1D;
	v35 =	vshrl.u32 v22, $0x3  }
0x218: {  	v23 =	vor.u32 v23, v24;
	v24 =	vor.u32 v25, v26;
	v25 =	vshll.u32 v22, $0x1D  }
0x219: {  	v26 =	vor.u32 v27, v28;
	v28 =	vor.u32 v31, v32;
	v27 =	vor.u32 v29, v30  }
0x21a: {  	v10 =	vadd.s32 v10, v16;
	v16 =	vor.u32 v33, v34;
	v25 =	vor.u32 v35, v25  }
0x21b: {  	v12 =	vadd.s32 v12, v18;
	v15 =	vadd.s32 v15, v19;
	v9 =	vadd.s32 v9, v20  }
0x21c: {  	v13 =	vadd.s32 v13, v21;
	v14 =	vadd.s32 v14, v17;
	v11 =	vadd.s32 v11, v22  }
0x21d: {  	v17 =	vxor.u32 v10, v23;
	v18 =	vxor.u32 v12, v24;
	v19 =	vxor.u32 v15, v26  }
0x21e: {  	v21 =	vxor.u32 v13, v28;
	v20 =	vxor.u32 v9, v27;
	v16 =	vxor.u32 v14, v16  }
0x21f: {  	v22 =	vshrl.u32 v17, $0x10;
	v23 =	vshll.u32 v17, $0x10;
	v24 =	vxor.u32 v11, v25  }
0x220: {  	v25 =	vshrl.u32 v18, $0x10;
	v26 =	vshll.u32 v18, $0x10;
	v27 =	vshrl.u32 v19, $0x10  }
0x221: {  	v28 =	vshll.u32 v19, $0x10;
	v29 =	vshrl.u32 v20, $0x10;
	v30 =	vshll.u32 v20, $0x10  }
0x222: {  	v31 =	vshrl.u32 v21, $0x10;
	v32 =	vshll.u32 v21, $0x10;
	v33 =	vshrl.u32 v16, $0x10  }
0x223: {  	v34 =	vshll.u32 v16, $0x10;
	v35 =	vshrl.u32 v24, $0x10;
	v36 =	vshll.u32 v24, $0x10  }
0x224: {  	v22 =	vor.u32 v22, v23;
	v23 =	vor.u32 v25, v26;
	v25 =	vor.u32 v27, v28  }
0x225: {  	v27 =	vor.u32 v31, v32;
	v26 =	vor.u32 v29, v30;
	v28 =	vor.u32 v33, v34  }
0x226: {  	v10 =	vadd.s32 v10, v17;
	v12 =	vadd.s32 v12, v18;
	v17 =	vor.u32 v35, v36  }
0x227: {  	v15 =	vadd.s32 v15, v19;
	v13 =	vadd.s32 v13, v21;
	v9 =	vadd.s32 v9, v20  }
0x228: {  	v14 =	vadd.s32 v14, v16;
	v11 =	vadd.s32 v11, v24;
	v18 =	vxor.u32 v10, v22  }
0x229: {  	v16 =	vxor.u32 v12, v23;
	v19 =	vxor.u32 v15, v25;
	v20 =	vxor.u32 v9, v26  }
0x22a: {  	v21 =	vxor.u32 v13, v27;
	v22 =	vxor.u32 v14, v28;
	v17 =	vxor.u32 v11, v17  }
0x22b: {  	v23 =	vshrl.u32 v18, $0x8;
	v24 =	vshll.u32 v18, $0x18;
	v25 =	vshrl.u32 v16, $0x8  }
0x22c: {  	v26 =	vshll.u32 v16, $0x18;
	v27 =	vshrl.u32 v19, $0x8;
	v28 =	vshll.u32 v19, $0x18  }
0x22d: {  	v31 =	vshrl.u32 v21, $0x8;
	v29 =	vshrl.u32 v20, $0x8;
	v30 =	vshll.u32 v20, $0x18  }
0x22e: {  	v32 =	vshll.u32 v21, $0x18;
	v33 =	vshrl.u32 v22, $0x8;
	v34 =	vshll.u32 v22, $0x18  }
0x22f: {  	v23 =	vor.u32 v23, v24;
	v24 =	vshrl.u32 v17, $0x8;
	v35 =	vshll.u32 v17, $0x18  }
0x230: {  	v25 =	vor.u32 v25, v26;
	v26 =	vor.u32 v27, v28;
	v27 =	vor.u32 v29, v30  }
0x231: {  	v28 =	vor.u32 v31, v32;
	v29 =	vor.u32 v33, v34;
	v24 =	vor.u32 v24, v35  }
0x232: {  	v10 =	vadd.s32 v10, v18;
	v12 =	vadd.s32 v12, v16;
	v15 =	vadd.s32 v15, v19  }
0x233: {  	v13 =	vadd.s32 v13, v21;
	v9 =	vadd.s32 v9, v20;
	v14 =	vadd.s32 v14, v22  }
0x234: {  	v11 =	vadd.s32 v11, v17;
	v16 =	vxor.u32 v10, v23;
	v18 =	vxor.u32 v12, v25  }
0x235: {  	v17 =	vxor.u32 v15, v26;
	v20 =	vxor.u32 v13, v28;
	v19 =	vxor.u32 v9, v27  }
0x236: {  	v16 =	vadd.s32 $0x45E002FF, v16;
	v21 =	vxor.u32 v14, v29;
	v22 =	vxor.u32 v11, v24  }
0x237: {  	v18 =	vadd.s32 $0x45E002FF, v18;
	v17 =	vadd.s32 $0x45E002FF, v17;
	v19 =	vadd.s32 $0x45E002FF, v19  }
0x238: {  	v20 =	vadd.s32 $0x45E002FF, v20;
	v21 =	vadd.s32 $0x45E002FF, v21;
	v22 =	vadd.s32 $0x45E002FF, v22  }
0x239: {  	v10 =	vadd.s32 v16, v10;
	v23 =	vshrl.u32 v16, $0x13;
	v16 =	vshll.u32 v16, $0xD  }
0x23a: {  	v12 =	vadd.s32 v18, v12;
	v24 =	vshrl.u32 v18, $0x13;
	v18 =	vshll.u32 v18, $0xD  }
0x23b: {  	v15 =	vadd.s32 v17, v15;
	v25 =	vshrl.u32 v17, $0x13;
	v17 =	vshll.u32 v17, $0xD  }
0x23c: {  	v9 =	vadd.s32 v19, v9;
	v26 =	vshrl.u32 v19, $0x13;
	v19 =	vshll.u32 v19, $0xD  }
0x23d: {  	v13 =	vadd.s32 v20, v13;
	v27 =	vshrl.u32 v20, $0x13;
	v20 =	vshll.u32 v20, $0xD  }
0x23e: {  	v14 =	vadd.s32 v21, v14;
	v28 =	vshrl.u32 v21, $0x13;
	v21 =	vshll.u32 v21, $0xD  }
0x23f: {  	v11 =	vadd.s32 v22, v11;
	v29 =	vshrl.u32 v22, $0x13;
	v22 =	vshll.u32 v22, $0xD  }
0x240: {  	v10 =	vadd.s32 $0x76F86359, v10;
	v16 =	vor.u32 v23, v16;
	v12 =	vadd.s32 $0x76F86359, v12  }
0x241: {  	v18 =	vor.u32 v24, v18;
	v15 =	vadd.s32 $0x76F86359, v15;
	v17 =	vor.u32 v25, v17  }
0x242: {  	v13 =	vadd.s32 $0x76F86359, v13;
	v9 =	vadd.s32 $0x76F86359, v9;
	v19 =	vor.u32 v26, v19  }
0x243: {  	v20 =	vor.u32 v27, v20;
	v14 =	vadd.s32 $0x76F86359, v14;
	v21 =	vor.u32 v28, v21  }
0x244: {  	v16 =	vxor.u32 v10, v16;
	v11 =	vadd.s32 $0x76F86359, v11;
	v22 =	vor.u32 v29, v22  }
0x245: {  	v18 =	vxor.u32 v12, v18;
	v17 =	vxor.u32 v15, v17;
	v19 =	vxor.u32 v9, v19  }
0x246: {  	v20 =	vxor.u32 v13, v20;
	v21 =	vxor.u32 v14, v21;
	v22 =	vxor.u32 v11, v22  }
0x247: {  	v23 =	vshrl.u32 v16, $0x11;
	v24 =	vshll.u32 v16, $0xF;
	v25 =	vshrl.u32 v18, $0x11  }
0x248: {  	v26 =	vshll.u32 v18, $0xF;
	v27 =	vshrl.u32 v17, $0x11;
	v28 =	vshll.u32 v17, $0xF  }
0x249: {  	v31 =	vshrl.u32 v20, $0x11;
	v29 =	vshrl.u32 v19, $0x11;
	v30 =	vshll.u32 v19, $0xF  }
0x24a: {  	v32 =	vshll.u32 v20, $0xF;
	v33 =	vshrl.u32 v21, $0x11;
	v34 =	vshll.u32 v21, $0xF  }
0x24b: {  	v23 =	vor.u32 v23, v24;
	v24 =	vshrl.u32 v22, $0x11;
	v35 =	vshll.u32 v22, $0xF  }
0x24c: {  	v25 =	vor.u32 v25, v26;
	v26 =	vor.u32 v27, v28;
	v27 =	vor.u32 v29, v30  }
0x24d: {  	v28 =	vor.u32 v31, v32;
	v29 =	vor.u32 v33, v34;
	v24 =	vor.u32 v24, v35  }
0x24e: {  	v10 =	vadd.s32 v10, v16;
	v12 =	vadd.s32 v12, v18;
	v15 =	vadd.s32 v15, v17  }
0x24f: {  	v13 =	vadd.s32 v13, v20;
	v9 =	vadd.s32 v9, v19;
	v14 =	vadd.s32 v14, v21  }
0x250: {  	v11 =	vadd.s32 v11, v22;
	v16 =	vxor.u32 v10, v23;
	v17 =	vxor.u32 v12, v25  }
0x251: {  	v18 =	vxor.u32 v15, v26;
	v20 =	vxor.u32 v13, v28;
	v19 =	vxor.u32 v9, v27  }
0x252: {  	v21 =	vshrl.u32 v16, $0x6;
	v22 =	vxor.u32 v14, v29;
	v23 =	vxor.u32 v11, v24  }
0x253: {  	v24 =	vshll.u32 v16, $0x1A;
	v25 =	vshrl.u32 v17, $0x6;
	v26 =	vshll.u32 v17, $0x1A  }
0x254: {  	v27 =	vshrl.u32 v18, $0x6;
	v28 =	vshll.u32 v18, $0x1A;
	v29 =	vshrl.u32 v19, $0x6  }
0x255: {  	v31 =	vshrl.u32 v20, $0x6;
	v32 =	vshll.u32 v20, $0x1A;
	v30 =	vshll.u32 v19, $0x1A  }
0x256: {  	v33 =	vshrl.u32 v22, $0x6;
	v34 =	vshll.u32 v22, $0x1A;
	v35 =	vshrl.u32 v23, $0x6  }
0x257: {  	v21 =	vor.u32 v21, v24;
	v24 =	vor.u32 v25, v26;
	v25 =	vshll.u32 v23, $0x1A  }
0x258: {  	v26 =	vor.u32 v27, v28;
	v28 =	vor.u32 v31, v32;
	v27 =	vor.u32 v29, v30  }
0x259: {  	v10 =	vadd.s32 v10, v16;
	v16 =	vor.u32 v33, v34;
	v25 =	vor.u32 v35, v25  }
0x25a: {  	v12 =	vadd.s32 v12, v17;
	v15 =	vadd.s32 v15, v18;
	v9 =	vadd.s32 v9, v19  }
0x25b: {  	v13 =	vadd.s32 v13, v20;
	v14 =	vadd.s32 v14, v22;
	v11 =	vadd.s32 v11, v23  }
0x25c: {  	v17 =	vxor.u32 v10, v21;
	v18 =	vxor.u32 v12, v24;
	v19 =	vxor.u32 v15, v26  }
0x25d: {  	v21 =	vxor.u32 v13, v28;
	v20 =	vxor.u32 v9, v27;
	v16 =	vxor.u32 v14, v16  }
0x25e: {  	v22 =	vshrl.u32 v17, $0x1A;
	v23 =	vshll.u32 v17, $0x6;
	v24 =	vxor.u32 v11, v25  }
0x25f: {  	v25 =	vshrl.u32 v18, $0x1A;
	v26 =	vshll.u32 v18, $0x6;
	v27 =	vshrl.u32 v19, $0x1A  }
0x260: {  	v28 =	vshll.u32 v19, $0x6;
	v29 =	vshrl.u32 v20, $0x1A;
	v30 =	vshll.u32 v20, $0x6  }
0x261: {  	v31 =	vshrl.u32 v21, $0x1A;
	v32 =	vshll.u32 v21, $0x6;
	v33 =	vshrl.u32 v16, $0x1A  }
0x262: {  	v34 =	vshll.u32 v16, $0x6;
	v35 =	vshrl.u32 v24, $0x1A;
	v36 =	vshll.u32 v24, $0x6  }
0x263: {  	v22 =	vor.u32 v22, v23;
	v23 =	vor.u32 v25, v26;
	v25 =	vor.u32 v27, v28  }
0x264: {  	v27 =	vor.u32 v31, v32;
	v26 =	vor.u32 v29, v30;
	v28 =	vor.u32 v33, v34  }
0x265: {  	v10 =	vadd.s32 v10, v17;
	v12 =	vadd.s32 v12, v18;
	v17 =	vor.u32 v35, v36  }
0x266: {  	v15 =	vadd.s32 v15, v19;
	v13 =	vadd.s32 v13, v21;
	v9 =	vadd.s32 v9, v20  }
0x267: {  	v14 =	vadd.s32 v14, v16;
	v11 =	vadd.s32 v11, v24;
	v18 =	vxor.u32 v10, v22  }
0x268: {  	v16 =	vxor.u32 v12, v23;
	v19 =	vxor.u32 v15, v25;
	v20 =	vxor.u32 v9, v26  }
0x269: {  	v21 =	vxor.u32 v13, v27;
	v22 =	vxor.u32 v14, v28;
	v17 =	vxor.u32 v11, v17  }
0x26a: {  	v18 =	vadd.s32 $0x28C97A7D, v18;
	v16 =	vadd.s32 $0x28C97A7D, v16;
	v19 =	vadd.s32 $0x28C97A7D, v19  }
0x26b: {  	v21 =	vadd.s32 $0x28C97A7D, v21;
	v20 =	vadd.s32 $0x28C97A7D, v20;
	v22 =	vadd.s32 $0x28C97A7D, v22  }
0x26c: {  	v10 =	vadd.s32 $0x45E002FB, v10;
	v12 =	vadd.s32 $0x45E002FB, v12;
	v17 =	vadd.s32 $0x28C97A7D, v17  }
0x26d: {  	v15 =	vadd.s32 $0x45E002FB, v15;
	v13 =	vadd.s32 $0x45E002FB, v13;
	v9 =	vadd.s32 $0x45E002FB, v9  }
0x26e: {  	v14 =	vadd.s32 $0x45E002FB, v14;
	v11 =	vadd.s32 $0x45E002FB, v11;
	v10 =	vxor.u32 v10, v18  }
0x26f: {  	v12 =	vxor.u32 v12, v16;
	v15 =	vxor.u32 v15, v19;
	v9 =	vxor.u32 v9, v20  }
0x270: {  	v13 =	vxor.u32 v13, v21;
	v14 =	vxor.u32 v14, v22;
	v11 =	vxor.u32 v11, v17  }
0x271: {  	v16 =	vand.u32 $0xFFFFFFFD, v8;
	v18 =	vand.u32 $0xFFFFFFFD, v2;
	v17 =	vand.u32 $0xFFFFFFFD, v3  }
0x272: {  	v19 =	vand.u32 $0xFFFFFFFD, v4;
	v21 =	vand.u32 $0xFFFFFFFD, v6;
	v20 =	vand.u32 $0xFFFFFFFD, v5  }
0x273: {  	vm2 =	vlt.u32 v10, $0x33333400;
	vm3 =	vlt.u32 v12, $0x33333400;
	v10 =	vand.u32 $0xFFFFFFFD, v7  }
0x274: {  	vm4 =	vlt.u32 v15, $0x33333400;
	vm8 =	vlt.u32 v13, $0x33333400;
	vm5 =	vlt.u32 v9, $0x33333400  }
.Ltmp0:
0x275: {  	vm6 =	vne.s32 v16, $0x0;
	vm9 =	vlt.u32 v14, $0x33333400;
	vm0 =	vlt.u32 v11, $0x33333400;
	(pc) =	sbr.rel @p0 .LBB2_2-.Ltmp0, $4  }
0x276: {  	vm10 =	vne.s32 v18, $0x0;
	vm11 =	vne.s32 v19, $0x0;
	vm7 =	vne.s32 v17, $0x0  }
0x277: {  	vm13 =	vne.s32 v21, $0x0;
	vm12 =	vne.s32 v20, $0x0;
	vm1 =	vne.s32 v10, $0x0  }
0x278: {  	vm6 =	vmand vm2, vm6;
	vm7 =	vmand vm3, vm7;
	vm3 =	vmand vm4, vm10  }
0x279: {  	vm4 =	vmand vm5, vm11;
	vm5 =	vmand vm8, vm12;
	vm2 =	vmand vm9, vm13  }
0x27a: {  	v8 =	vsel vm6, $0x0, v8  }
0x27b: {  	v3 =	vsel vm7, $0x0, v3;
	[tilespmem:s11+$0xFFFFFFC0] =	vst v8  }
0x27c: {  	v5 =	vsel vm5, $0x0, v5;
	[tilespmem:s11+$0xFFFFFFD0] =	vst v3  }
0x27d: {  	v2 =	vsel vm3, $0x0, v2;
	[tilespmem:s11+$0x0] =	vst v5  }
0x27e: {  	v3 =	vsel vm4, $0x0, v4;
	[tilespmem:s11+$0xFFFFFFE0] =	vst v2  }
0x27f: {  	vm0 =	vmand vm0, vm1;
	s9 =	sadd.s32 $0x1, s9;
	v2 =	vsel vm2, $0x0, v6;
	[tilespmem:s11+$0xFFFFFFF0] =	vst v3  }
0x280: {  	p0 =	sne.s32 s9, s5;
	v3 =	vsel vm0, $0x0, v7;
	[tilespmem:s11+$0x10] =	vst v2  }
.Ltmp1:
0x281: {  	[tilespmem:s11+$0x20] =	vst v3;
	(pc) =	sbr.rel @p0 .LBB2_1-.Ltmp1, $4  }
0x282: {  	[hbm4b:s4+s2] =	stream.linear.scatter [tilespmem:s8], [sflag:$0x1], $0x1800, $0x38;
	[tilespmem:$0x3000] =	vst v63  }
0x283: {  	_ =	swait.ge [sflag:s7], $0x1800  }
0x284: {  	[sflag:s7] =	ssyncset.done $0x0  }
0x285: {  	[sflag:s7] =	ssyncadd.s32 $0xFFFFE800  }
0x286: {  	_ =	sfence.sel $0x180000  }
0x287: {  	[bflag:$0x0] =	sbarrier.arrive $0xFFFF  }
0x288: {  	p0 =	sne.s32 s0, $0x0;
	_ =	strace $0x90000047  }
0x289: {  	s0 =	sadd.s32 @!p0 $0x100000, s1;
	[bflag:$0x2] =	sbarrier.arrive $0xFFFF  }
0x28a: {  	[sflag:s0] =	ssyncadd.tile.s32 @!p0 $0x1;
	_ =	shalt  }
.Lfunc_end2:
_tile_overlayer_lowered:
.L_overlay_start_2:
0x28b: {  	(tag) =	ssettag $0x2  }
0x28c: {  	s0 =	rddreg [dreg:$0x0];
	s2 =	stileid.u32  }
0x28d: {  	s1 =	rddreg [dreg:$0x1];
	p0 =	sne.s32 s2, $0x0  }
0x28e: {  	s3 =	rddreg [dreg:$0x2];
	[bflag:$0x3] =	sbarrier.arrive $0xFFFF;
	s2 =	simm.s32 @!p0 $0x1C01  }
0x28f: {  	[timem:s3], [sflag:s2] =	dma.local @!p0 [hbm:s0], s1  }
0x290: {  	s0 =	simm.s32 @!p0 $0x1  }
0x291: {  	_ =	swait.ge @!p0 [sflag:s0], s1  }
0x292: {  	s1 =	ssub.s32 @!p0 $0x0, s1;
	[sflag:s0] =	ssyncset.done @!p0 $0x0  }
0x293: {  	[sflag:s0] =	ssyncadd.s32 @!p0 s1  }
0x294: {  	[bflag:$0x3] =	sbarrier.arrive $0xFFFF  }
0x295: {  	_ =	shalt  }

</sc_bundles>
